<compile_context>
chip_gen: v7x
topology: tpu7x:2x2x1
jax: 0.10.2.dev20260603
libtpu: 0.0.44.dev20260713+nightly
codegen_flags: <defaults>
</compile_context>

<pallas_src>
import functools

import jax
import jax.numpy as jnp
from jax import lax
from jax.experimental import pallas as pl
from jax.experimental.pallas import tpu as pltpu
from jax.experimental.pallas import tpu_sc as plsc

N = 10000
E = 320000
D = 128
R = 8
B = 4

NC = 2
NS = 16
NW = NC * NS

EDGES_PER_TILE = E // NW
CHUNK = 100
NCHUNK = EDGES_PER_TILE // CHUNK
ROW_BLK = 48
ROW_REM = 16
ROWS_PER_TILE = 624


def _tc_prep_body(comps_ref, x_ref, bases_ref, src_ref, typ_ref, dst_ref,
                  xw_ref, idxc_ref):
    r = pl.program_id(0)
    w = jnp.zeros((D, D), dtype=jnp.float32)
    for b in range(B):
        w = w + comps_ref[r, b] * bases_ref[b]
    xw_ref[...] = jnp.dot(x_ref[...], w, preferred_element_type=jnp.float32)

    @pl.when(r == 0)
    def _():
        idxc_ref[:, 0, :] = typ_ref[:, 0, :] * N + src_ref[:, 0, :]
        idxc_ref[:, 1, :] = dst_ref[:, 0, :]


def _tc_prep(X, bases, comps, src, typ, dst):
    nchunks = NW * NCHUNK
    src3 = src.reshape(nchunks, 1, CHUNK)
    typ3 = typ.reshape(nchunks, 1, CHUNK)
    dst3 = dst.reshape(nchunks, 1, CHUNK)
    grid = (R,)
    return pl.pallas_call(
        _tc_prep_body,
        grid=grid,
        in_specs=[
            pl.BlockSpec(memory_space=pltpu.SMEM),
            pl.BlockSpec((N, D), lambda r: (0, 0)),
            pl.BlockSpec((B, D, D), lambda r: (0, 0, 0)),
            pl.BlockSpec((nchunks, 1, CHUNK), lambda r: (0, 0, 0)),
            pl.BlockSpec((nchunks, 1, CHUNK), lambda r: (0, 0, 0)),
            pl.BlockSpec((nchunks, 1, CHUNK), lambda r: (0, 0, 0)),
        ],
        out_specs=[
            pl.BlockSpec((N, D), lambda r: (r, 0)),
            pl.BlockSpec((nchunks, 2, CHUNK), lambda r: (0, 0, 0)),
        ],
        out_shape=[
            jax.ShapeDtypeStruct((R * N, D), jnp.float32),
            jax.ShapeDtypeStruct((nchunks, 2, CHUNK), jnp.int32),
        ],
    )(comps, X, bases, src3, typ3, dst3)


def _sc_edges_body(xw_hbm, idxc_hbm, acc_hbm, deg_hbm,
                   idxp_v, rowsA_v, rowsB_v, zrow_v, deg_loc, acc_sh,
                   gsemA, gsemB, ssemA, ssemB):
    c = lax.axis_index("c")
    s = lax.axis_index("s")
    wid = c * NS + s

    zero16 = jnp.zeros((16,), jnp.float32)
    ones16 = jnp.ones((16,), jnp.float32)

    def init_zrow(i, _):
        zrow_v[i // (D // 16), pl.ds((i % (D // 16)) * 16, 16)] = zero16
        return 0
    lax.fori_loop(0, ROW_BLK * (D // 16), init_zrow, 0)

    def init_deg(i, _):
        deg_loc[pl.ds(i * 16, 16)] = zero16
        return 0
    lax.fori_loop(0, N // 16, init_deg, 0)

    row0 = s * ROWS_PER_TILE

    def zero_body(i, _):
        pltpu.sync_copy(zrow_v, acc_sh.at[pl.ds(row0 + i * ROW_BLK, ROW_BLK)])
        return 0
    lax.fori_loop(0, ROWS_PER_TILE // ROW_BLK, zero_body, 0)

    @pl.when(s == NS - 1)
    def _():
        pltpu.sync_copy(zrow_v.at[pl.ds(0, ROW_REM)],
                        acc_sh.at[pl.ds(NS * ROWS_PER_TILE, ROW_REM)])
    plsc.subcore_barrier()

    def count_deg(q, j):
        for i in range(CHUNK // 16):
            idx16 = idxp_v[q, j, 1, pl.ds(i * 16, 16)]
            plsc.addupdate_scatter(deg_loc, [idx16], ones16)
        rem = CHUNK % 16
        if rem:
            lanes = lax.broadcasted_iota(jnp.int32, (16,), 0)
            idx16 = idxp_v[q, j, 1, pl.ds(CHUNK - 16, 16)]
            plsc.addupdate_scatter(deg_loc, [idx16], ones16,
                                   mask=lanes >= (16 - rem))

    def gather(q, j, rows, sem):
        pltpu.async_copy(xw_hbm.at[idxp_v.at[q, j, 0]], rows, sem)

    def wait_gather(q, j, rows, sem):
        pltpu.make_async_copy(xw_hbm.at[idxp_v.at[q, j, 0]], rows, sem).wait()

    def scatter(q, j, rows, sem):
        pltpu.async_copy(rows, acc_sh.at[idxp_v.at[q, j, 1]], sem, add=True)
        count_deg(q, j)

    def wait_scatter(q, j, rows, sem):
        pltpu.make_async_copy(rows, acc_sh.at[idxp_v.at[q, j, 1]], sem).wait()

    pltpu.sync_copy(idxc_hbm.at[wid, pl.ds(0, 2)], idxp_v.at[0])
    gather(0, 0, rowsA_v, gsemA)

    def quad_body(i, _):
        g = i * 4
        pltpu.sync_copy(idxc_hbm.at[wid, pl.ds(g + 2, 2)], idxp_v.at[1])
        gather(0, 1, rowsB_v, gsemB)
        wait_gather(0, 0, rowsA_v, gsemA)
        scatter(0, 0, rowsA_v, ssemA)
        wait_gather(0, 1, rowsB_v, gsemB)
        scatter(0, 1, rowsB_v, ssemB)
        wait_scatter(0, 0, rowsA_v, ssemA)
        gather(1, 0, rowsA_v, gsemA)
        wait_scatter(0, 1, rowsB_v, ssemB)
        gather(1, 1, rowsB_v, gsemB)

        @pl.when(g + 4 < NCHUNK)
        def _():
            pltpu.sync_copy(idxc_hbm.at[wid, pl.ds(g + 4, 2)], idxp_v.at[0])
        wait_gather(1, 0, rowsA_v, gsemA)
        scatter(1, 0, rowsA_v, ssemA)
        wait_gather(1, 1, rowsB_v, gsemB)
        scatter(1, 1, rowsB_v, ssemB)
        wait_scatter(1, 0, rowsA_v, ssemA)

        @pl.when(g + 4 < NCHUNK)
        def _():
            gather(0, 0, rowsA_v, gsemA)
        wait_scatter(1, 1, rowsB_v, ssemB)
        return 0

    lax.fori_loop(0, NCHUNK // 4, quad_body, 0)

    pltpu.sync_copy(deg_loc, deg_hbm.at[c, s])
    plsc.subcore_barrier()

    def out_body(i, _):
        sl = pl.ds(row0 + i * ROW_BLK, ROW_BLK)
        pltpu.sync_copy(acc_sh.at[sl], acc_hbm.at[c, sl])
        return 0
    lax.fori_loop(0, ROWS_PER_TILE // ROW_BLK, out_body, 0)

    @pl.when(s == NS - 1)
    def _():
        sl = pl.ds(NS * ROWS_PER_TILE, ROW_REM)
        pltpu.sync_copy(acc_sh.at[sl], acc_hbm.at[c, sl])


@functools.partial(
    pl.kernel,
    out_type=(
        jax.ShapeDtypeStruct((NC, N, D), jnp.float32),
        jax.ShapeDtypeStruct((NC, NS, N), jnp.float32),
    ),
    mesh=plsc.VectorSubcoreMesh(core_axis_name="c", subcore_axis_name="s",
                                num_cores=NC, num_subcores=NS),
    compiler_params=pltpu.CompilerParams(needs_layout_passes=False),
    scratch_types=[
        pltpu.VMEM((2, 2, 2, CHUNK), jnp.int32),
        pltpu.VMEM((CHUNK, D), jnp.float32),
        pltpu.VMEM((CHUNK, D), jnp.float32),
        pltpu.VMEM((ROW_BLK, D), jnp.float32),
        pltpu.VMEM((N,), jnp.float32),
        pltpu.VMEM_SHARED((N, D), jnp.float32),
        pltpu.SemaphoreType.DMA,
        pltpu.SemaphoreType.DMA,
        pltpu.SemaphoreType.DMA,
        pltpu.SemaphoreType.DMA,
    ],
)
def _sc_edges(xw_hbm, idxc_hbm, acc_hbm, deg_hbm,
              idxp_v, rowsA_v, rowsB_v, zrow_v, deg_loc, acc_sh,
              gsemA, gsemB, ssemA, ssemB):
    _sc_edges_body(xw_hbm, idxc_hbm, acc_hbm, deg_hbm,
                   idxp_v, rowsA_v, rowsB_v, zrow_v, deg_loc, acc_sh,
                   gsemA, gsemB, ssemA, ssemB)


def _tc_finish_body(acc_ref, deg_ref, bias_ref, out_ref):
    acc = acc_ref[0] + acc_ref[1]
    deg = jnp.sum(deg_ref[...], axis=0)[:, None]
    norm = 1.0 / jnp.clip(deg, 1.0, None)
    out_ref[...] = jnp.maximum(acc * norm + bias_ref[...], 0.0)


def _tc_finish(acc, deg, bias):
    return pl.pallas_call(
        _tc_finish_body,
        out_shape=jax.ShapeDtypeStruct((N, D), jnp.float32),
    )(acc, deg.reshape(NC * NS, N), bias.reshape(1, D))


def kernel(X, edge_index, edge_type, bases, comps, bias):
    src = edge_index[0]
    dst = edge_index[1]
    xw, idxc = _tc_prep(X, bases, comps, src, edge_type, dst)
    acc, deg = _sc_edges(xw, idxc.reshape(NW, NCHUNK, 2, CHUNK))
    return _tc_finish(acc, deg, bias)

# --- scband reference (transcript-rebuilt; emitter-appended) ---
"""Pipeline reference for scband-rgcn-1726576853270 (READ-ONLY COPY).

The authoritative reference and input builder live on the scoring server;
editing this copy changes nothing except your own understanding.
"""

import jax, jax.numpy as jnp
import numpy as np

N = 10000
E = 320000
D_IN = 128
D_OUT = 128
R = 8
B = 4


def setup_inputs(seed: int = 0) -> dict:
    key = jax.random.key(seed)
    k1, k2, k3, k4, k5 = jax.random.split(key, 5)
    X = jax.random.normal(k1, (N, D_IN), dtype=jnp.float32)
    edge_index = jax.random.randint(k2, (2, E), 0, N, dtype=jnp.int32)
    edge_type = jax.random.randint(k3, (E,), 0, R, dtype=jnp.int32)
    # learned parameters: basis decomposition W_r = sum_b comps[r,b] * bases[b]
    bases = jax.random.normal(k4, (B, D_IN, D_OUT), dtype=jnp.float32) * 0.05
    comps = jax.random.normal(k5, (R, B), dtype=jnp.float32) * 0.05
    bias = jnp.zeros((D_OUT,), dtype=jnp.float32)
    return {"X": X, "edge_index": edge_index, "edge_type": edge_type,
            "bases": bases, "comps": comps, "bias": bias}


def reference(X, edge_index, edge_type, bases, comps, bias):
    # RGCN layer: out[n] = relu( sum_{r} sum_{m in N_r(n)} (1/deg(n)) * X[m] @ W_r + bias )
    # W_r via basis decomposition
    W = jnp.einsum('rb,bio->rio', comps, bases)          # [R, D_IN, D_OUT]
    XW = jnp.einsum('ni,rio->rno', X, W)                 # [R, N, D_OUT]
    src = edge_index[0]
    dst = edge_index[1]
    # gather per-edge transformed source features (sparse A @ stacked XW)
    msg = XW[edge_type, src]                             # [E, D_OUT]
    deg = jnp.zeros((N,), dtype=jnp.float32).at[dst].add(1.0)
    norm = 1.0 / jnp.clip(deg, 1.0, None)
    msg = msg * norm[dst][:, None]
    out = jnp.zeros((N, D_OUT), dtype=jnp.float32).at[dst].add(msg)
    out = out + bias[None, :]
    return jax.nn.relu(out)

if __name__ == "__main__":
    import jax
    _d = setup_inputs()
    print(jax.jit(kernel)(*tuple(_d.values())))

</pallas_src>

<mosaic_0001>
#map = affine_map<(d0, d1) -> (0, 0)>
#map1 = affine_map<(d0, d1) -> (0, 0, 0, 0)>
#map2 = affine_map<(d0, d1) -> (0, 0, 0)>
module attributes {stable_mosaic.version = 14 : i64} {
  func.func @_sc_edges(%arg0: i32, %arg1: i32, %arg2: memref<80000x128xf32, #tpu.memory_space<hbm>>, %arg3: memref<32x100x2x100xi32, #tpu.memory_space<hbm>>, %arg4: memref<2x10000x128xf32, #tpu.memory_space<hbm>>, %arg5: memref<2x16x10000xf32, #tpu.memory_space<hbm>>, %arg6: memref<2x2x2x100xi32, #tpu.memory_space<vmem>>, %arg7: memref<100x128xf32, #tpu.memory_space<vmem>>, %arg8: memref<100x128xf32, #tpu.memory_space<vmem>>, %arg9: memref<48x128xf32, #tpu.memory_space<vmem>>, %arg10: memref<10000xf32, #tpu.memory_space<vmem>>, %arg11: memref<10000x128xf32, #tpu.memory_space<vmem_shared>>, %arg12: memref<!tpu.dma_semaphore, #tpu.memory_space<semaphore_mem>>, %arg13: memref<!tpu.dma_semaphore, #tpu.memory_space<semaphore_mem>>, %arg14: memref<!tpu.dma_semaphore, #tpu.memory_space<semaphore_mem>>, %arg15: memref<!tpu.dma_semaphore, #tpu.memory_space<semaphore_mem>>) attributes {dimension_semantics = [#tpu.dimension_semantics<core_parallel>, #tpu.dimension_semantics<subcore_parallel>], iteration_bounds = array<i64: 2, 16>, scalar_prefetch = 0 : i64, scratch_operands = 10 : i64, tpu.core_type = #tpu.core_type<sc_vector_subcore>, window_params = [{transform_indices = #map}, {transform_indices = #map1}, {transform_indices = #map2}, {transform_indices = #map2}]} {
    %mul3A = arith.constant 16 : i32
    %mul3A_0 = arith.muli %arg0, %mul3A : i32
    %add3A = arith.addi %mul3A_0, %arg1 : i32
    %broadcast_in_dim3A = arith.constant 0.000000e+00 : f32
    %broadcast_in_dim3A_1 = vector.broadcast %broadcast_in_dim3A : f32 to vector<16xf32>
    %broadcast_in_dim3A_2 = arith.constant 1.000000e+00 : f32
    %broadcast_in_dim3A_3 = vector.broadcast %broadcast_in_dim3A_2 : f32 to vector<16xf32>
    %scan3A = arith.constant 0 : i32
    %scan3A_4 = arith.constant 0 : i32
    %scan3A_5 = arith.constant 384 : i32
    %scan3A_6 = arith.addi %scan3A_4, %scan3A_5 : i32
    %scan3A_7 = arith.constant 1 : i32
    %scan3A_8 = scf.for %scan3A_56 = %scan3A_4 to %scan3A_6 step %scan3A_7 iter_args(%scan3A_57 = %scan3A) -> (i32)  : i32 {
      %jit3A = arith.constant 8 : i32
      %div3A = arith.divsi %scan3A_56, %jit3A : i32
      %sign3A = arith.constant 0 : i32
      %sign3A_58 = arith.cmpi sgt, %scan3A_56, %sign3A : i32
      %sign3A_59 = arith.extui %sign3A_58 : i1 to i32
      %sign3A_60 = arith.constant 0 : i32
      %sign3A_61 = arith.cmpi slt, %scan3A_56, %sign3A_60 : i32
      %sign3A_62 = arith.extui %sign3A_61 : i1 to i32
      %sign3A_63 = arith.subi %sign3A_59, %sign3A_62 : i32
      %sign3A_64 = arith.constant 0 : i32
      %sign3A_65 = arith.cmpi sgt, %jit3A, %sign3A_64 : i32
      %sign3A_66 = arith.extui %sign3A_65 : i1 to i32
      %sign3A_67 = arith.constant 0 : i32
      %sign3A_68 = arith.cmpi slt, %jit3A, %sign3A_67 : i32
      %sign3A_69 = arith.extui %sign3A_68 : i1 to i32
      %sign3A_70 = arith.subi %sign3A_66, %sign3A_69 : i32
      %ne3A = arith.cmpi ne, %sign3A_63, %sign3A_70 : i32
      %rem3A = arith.remsi %scan3A_56, %jit3A : i32
      %ne3A_71 = arith.constant 0 : i32
      %ne3A_72 = arith.cmpi ne, %rem3A, %ne3A_71 : i32
      %and3A = arith.andi %ne3A, %ne3A_72 : i1
      %sub3A = arith.constant 1 : i32
      %sub3A_73 = arith.subi %div3A, %sub3A : i32
      %select_n3A = arith.select %and3A, %sub3A_73, %div3A : i32
      %jit3A_74 = arith.constant 8 : i32
      %eq3A_75 = arith.constant 0 : i32
      %eq3A_76 = arith.cmpi eq, %jit3A_74, %eq3A_75 : i32
      %jit3A_77 = arith.constant 1 : i32
      %select_n3A_78 = arith.select %eq3A_76, %jit3A_77, %jit3A_74 : i32
      %rem3A_79 = arith.remsi %scan3A_56, %select_n3A_78 : i32
      %ne3A_80 = arith.constant 0 : i32
      %ne3A_81 = arith.cmpi ne, %rem3A_79, %ne3A_80 : i32
      %lt3A = arith.constant 0 : i32
      %lt3A_82 = arith.cmpi slt, %rem3A_79, %lt3A : i32
      %lt3A_83 = arith.constant 0 : i32
      %lt3A_84 = arith.cmpi slt, %select_n3A_78, %lt3A_83 : i32
      %ne3A_85 = arith.xori %lt3A_82, %lt3A_84 : i1
      %and3A_86 = arith.andi %ne3A_85, %ne3A_81 : i1
      %add3A_87 = arith.addi %rem3A_79, %select_n3A_78 : i32
      %select_n3A_88 = arith.select %and3A_86, %add3A_87, %rem3A_79 : i32
      %mul3A_89 = arith.constant 16 : i32
      %mul3A_90 = arith.muli %select_n3A_88, %mul3A_89 : i32
      %swap3A = arith.index_cast %select_n3A : i32 to index
      %swap3A_91 = arith.index_cast %mul3A_90 : i32 to index
      %swap3A_92 = tpu.vector_load %arg9[%swap3A, %swap3A_91] {strides = array<i32>} : memref<48x128xf32, #tpu.memory_space<vmem>>, vector<16xf32>,
      tpu.vector_store %arg9[%swap3A, %swap3A_91], %broadcast_in_dim3A_1 {strides = array<i32>} : memref<48x128xf32, #tpu.memory_space<vmem>>, vector<16xf32>,
      %scan3A_93 = arith.constant 0 : i32
      scf.yield %scan3A_93 : i32
    }
    %scan3A_9 = arith.constant 384 : i32
    %scan3A_10 = arith.constant 0 : i32
    %scan3A_11 = arith.constant 0 : i32
    %scan3A_12 = arith.constant 625 : i32
    %scan3A_13 = arith.addi %scan3A_11, %scan3A_12 : i32
    %scan3A_14 = arith.constant 1 : i32
    %scan3A_15 = scf.for %scan3A_56 = %scan3A_11 to %scan3A_13 step %scan3A_14 iter_args(%scan3A_57 = %scan3A_10) -> (i32)  : i32 {
      %mul3A_58 = arith.constant 16 : i32
      %mul3A_59 = arith.muli %scan3A_56, %mul3A_58 : i32
      %swap3A = arith.index_cast %mul3A_59 : i32 to index
      %swap3A_60 = tpu.vector_load %arg10[%swap3A] {strides = array<i32>} : memref<10000xf32, #tpu.memory_space<vmem>>, vector<16xf32>,
      tpu.vector_store %arg10[%swap3A], %broadcast_in_dim3A_1 {strides = array<i32>} : memref<10000xf32, #tpu.memory_space<vmem>>, vector<16xf32>,
      %scan3A_61 = arith.constant 0 : i32
      scf.yield %scan3A_61 : i32
    }
    %scan3A_16 = arith.constant 625 : i32
    %mul3A_17 = arith.constant 624 : i32
    %mul3A_18 = arith.muli %arg1, %mul3A_17 : i32
    %scan3A_19 = arith.constant 0 : i32
    %scan3A_20 = arith.constant 0 : i32
    %scan3A_21 = arith.constant 13 : i32
    %scan3A_22 = arith.addi %scan3A_20, %scan3A_21 : i32
    %scan3A_23 = arith.constant 1 : i32
    %scan3A_24 = scf.for %scan3A_56 = %scan3A_20 to %scan3A_22 step %scan3A_23 iter_args(%scan3A_57 = %scan3A_19) -> (i32)  : i32 {
      %mul3A_58 = arith.constant 48 : i32
      %mul3A_59 = arith.muli %scan3A_56, %mul3A_58 : i32
      %add3A_60 = arith.addi %mul3A_18, %mul3A_59 : i32
      "tpu.region"() ({
        %run_scoped3A_62 = tpu.sem_alloc : memref<!tpu.dma_semaphore, #tpu.memory_space<semaphore_mem>>
        %dma_start3A_63 = arith.constant 0 : i32
        %dma_start3A_64 = tpu.memref_slice %arg11[%add3A_60, %dma_start3A_63] : memref<10000x128xf32, #tpu.memory_space<vmem_shared>> -> memref<48x128xf32, #tpu.memory_space<vmem_shared>>
        %dma_start3A_65 = arith.constant 0 : i32
        %dma_start3A_66 = tpu.memref_slice %arg11[%add3A_60, %dma_start3A_65] : memref<10000x128xf32, #tpu.memory_space<vmem_shared>> -> memref<48x128xf32, #tpu.memory_space<vmem_shared>>
        tpu.enqueue_dma source(%arg9 : memref<48x128xf32, #tpu.memory_space<vmem>>) target(%dma_start3A_66 : memref<48x128xf32, #tpu.memory_space<vmem_shared>>) target_semaphore(%run_scoped3A_62 : memref<!tpu.dma_semaphore, #tpu.memory_space<semaphore_mem>>)
        %dma_wait3A = arith.constant 0 : i32
        %dma_wait3A_67 = tpu.memref_slice %arg11[%add3A_60, %dma_wait3A] : memref<10000x128xf32, #tpu.memory_space<vmem_shared>> -> memref<48x128xf32, #tpu.memory_space<vmem_shared>>
        %dma_wait3A_68 = arith.constant 0 : i32
        %dma_wait3A_69 = tpu.memref_slice %arg11[%add3A_60, %dma_wait3A_68] : memref<10000x128xf32, #tpu.memory_space<vmem_shared>> -> memref<48x128xf32, #tpu.memory_space<vmem_shared>>
        tpu.wait_dma2 semaphore(%run_scoped3A_62 : memref<!tpu.dma_semaphore, #tpu.memory_space<semaphore_mem>>) src(%arg9 : memref<48x128xf32, #tpu.memory_space<vmem>>) dst(%dma_wait3A_69 : memref<48x128xf32, #tpu.memory_space<vmem_shared>>)
        tpu.yield
      }) : () -> ()
      %scan3A_61 = arith.constant 0 : i32
      scf.yield %scan3A_61 : i32
    }
    %scan3A_25 = arith.constant 13 : i32
    %eq3A = arith.constant 15 : i32
    %eq3A_26 = arith.cmpi eq, %arg1, %eq3A : i32
    %convert_element_type3A = arith.extui %eq3A_26 : i1 to i32
    %cond3A = arith.constant 0 : i32
    %cond3A_27 = arith.cmpi ne, %convert_element_type3A, %cond3A : i32
    scf.if %cond3A_27 {
      "tpu.region"() ({
        %run_scoped3A_56 = tpu.sem_alloc : memref<!tpu.dma_semaphore, #tpu.memory_space<semaphore_mem>>
        %dma_start3A_57 = arith.constant 0 : i32
        %dma_start3A_58 = arith.constant 0 : i32
        %dma_start3A_59 = tpu.memref_slice %arg9[%dma_start3A_57, %dma_start3A_58] : memref<48x128xf32, #tpu.memory_space<vmem>> -> memref<16x128xf32, #tpu.memory_space<vmem>>
        %dma_start3A_60 = arith.constant 9984 : i32
        %dma_start3A_61 = arith.constant 0 : i32
        %dma_start3A_62 = tpu.memref_slice %arg11[%dma_start3A_60, %dma_start3A_61] : memref<10000x128xf32, #tpu.memory_space<vmem_shared>> -> memref<16x128xf32, #tpu.memory_space<vmem_shared>>
        %dma_start3A_63 = arith.constant 9984 : i32
        %dma_start3A_64 = arith.constant 0 : i32
        %dma_start3A_65 = tpu.memref_slice %arg11[%dma_start3A_63, %dma_start3A_64] : memref<10000x128xf32, #tpu.memory_space<vmem_shared>> -> memref<16x128xf32, #tpu.memory_space<vmem_shared>>
        %dma_start3A_66 = arith.constant 0 : i32
        %dma_start3A_67 = arith.constant 0 : i32
        %dma_start3A_68 = tpu.memref_slice %arg9[%dma_start3A_66, %dma_start3A_67] : memref<48x128xf32, #tpu.memory_space<vmem>> -> memref<16x128xf32, #tpu.memory_space<vmem>>
        tpu.enqueue_dma source(%dma_start3A_68 : memref<16x128xf32, #tpu.memory_space<vmem>>) target(%dma_start3A_65 : memref<16x128xf32, #tpu.memory_space<vmem_shared>>) target_semaphore(%run_scoped3A_56 : memref<!tpu.dma_semaphore, #tpu.memory_space<semaphore_mem>>)
        %dma_wait3A = arith.constant 0 : i32
        %dma_wait3A_69 = arith.constant 0 : i32
        %dma_wait3A_70 = tpu.memref_slice %arg9[%dma_wait3A, %dma_wait3A_69] : memref<48x128xf32, #tpu.memory_space<vmem>> -> memref<16x128xf32, #tpu.memory_space<vmem>>
        %dma_wait3A_71 = arith.constant 9984 : i32
        %dma_wait3A_72 = arith.constant 0 : i32
        %dma_wait3A_73 = tpu.memref_slice %arg11[%dma_wait3A_71, %dma_wait3A_72] : memref<10000x128xf32, #tpu.memory_space<vmem_shared>> -> memref<16x128xf32, #tpu.memory_space<vmem_shared>>
        %dma_wait3A_74 = arith.constant 9984 : i32
        %dma_wait3A_75 = arith.constant 0 : i32
        %dma_wait3A_76 = tpu.memref_slice %arg11[%dma_wait3A_74, %dma_wait3A_75] : memref<10000x128xf32, #tpu.memory_space<vmem_shared>> -> memref<16x128xf32, #tpu.memory_space<vmem_shared>>
        %dma_wait3A_77 = arith.constant 0 : i32
        %dma_wait3A_78 = arith.constant 0 : i32
        %dma_wait3A_79 = tpu.memref_slice %arg9[%dma_wait3A_77, %dma_wait3A_78] : memref<48x128xf32, #tpu.memory_space<vmem>> -> memref<16x128xf32, #tpu.memory_space<vmem>>
        tpu.wait_dma2 semaphore(%run_scoped3A_56 : memref<!tpu.dma_semaphore, #tpu.memory_space<semaphore_mem>>) src(%dma_wait3A_79 : memref<16x128xf32, #tpu.memory_space<vmem>>) dst(%dma_wait3A_76 : memref<16x128xf32, #tpu.memory_space<vmem_shared>>)
        tpu.yield
      }) : () -> ()
    } else {
    }
    %barrier3A = arith.constant 0 : index
    tpu.barrier barrier_id(%barrier3A)
    %run_scoped3A = arith.constant 0 : i32
    "tpu.region"() ({
      %run_scoped3A_56 = tpu.sem_alloc : memref<!tpu.dma_semaphore, #tpu.memory_space<semaphore_mem>>
      %dma_start3A_57 = arith.constant 0 : i32
      %dma_start3A_58 = arith.constant 0 : i32
      %dma_start3A_59 = arith.constant 0 : i32
      %dma_start3A_60 = tpu.memref_slice %arg6[%run_scoped3A, %dma_start3A_57, %dma_start3A_58, %dma_start3A_59] : memref<2x2x2x100xi32, #tpu.memory_space<vmem>> -> memref<1x2x2x100xi32, #tpu.memory_space<vmem>>
      %dma_start3A_61 = tpu.memref_squeeze %dma_start3A_60 : memref<1x2x2x100xi32, #tpu.memory_space<vmem>> -> memref<2x2x100xi32, #tpu.memory_space<vmem>>
      %dma_start3A_62 = arith.constant 0 : i32
      %dma_start3A_63 = arith.constant 0 : i32
      %dma_start3A_64 = arith.constant 0 : i32
      %dma_start3A_65 = tpu.memref_slice %arg3[%add3A, %dma_start3A_62, %dma_start3A_63, %dma_start3A_64] : memref<32x100x2x100xi32, #tpu.memory_space<hbm>> -> memref<1x2x2x100xi32, #tpu.memory_space<hbm>>
      %dma_start3A_66 = tpu.memref_squeeze %dma_start3A_65 : memref<1x2x2x100xi32, #tpu.memory_space<hbm>> -> memref<2x2x100xi32, #tpu.memory_space<hbm>>
      %dma_start3A_67 = arith.constant 0 : i32
      %dma_start3A_68 = arith.constant 0 : i32
      %dma_start3A_69 = arith.constant 0 : i32
      %dma_start3A_70 = tpu.memref_slice %arg6[%run_scoped3A, %dma_start3A_67, %dma_start3A_68, %dma_start3A_69] : memref<2x2x2x100xi32, #tpu.memory_space<vmem>> -> memref<1x2x2x100xi32, #tpu.memory_space<vmem>>
      %dma_start3A_71 = tpu.memref_squeeze %dma_start3A_70 : memref<1x2x2x100xi32, #tpu.memory_space<vmem>> -> memref<2x2x100xi32, #tpu.memory_space<vmem>>
      %dma_start3A_72 = arith.constant 0 : i32
      %dma_start3A_73 = arith.constant 0 : i32
      %dma_start3A_74 = arith.constant 0 : i32
      %dma_start3A_75 = tpu.memref_slice %arg3[%add3A, %dma_start3A_72, %dma_start3A_73, %dma_start3A_74] : memref<32x100x2x100xi32, #tpu.memory_space<hbm>> -> memref<1x2x2x100xi32, #tpu.memory_space<hbm>>
      %dma_start3A_76 = tpu.memref_squeeze %dma_start3A_75 : memref<1x2x2x100xi32, #tpu.memory_space<hbm>> -> memref<2x2x100xi32, #tpu.memory_space<hbm>>
      tpu.enqueue_dma source(%dma_start3A_76 : memref<2x2x100xi32, #tpu.memory_space<hbm>>) target(%dma_start3A_71 : memref<2x2x100xi32, #tpu.memory_space<vmem>>) target_semaphore(%run_scoped3A_56 : memref<!tpu.dma_semaphore, #tpu.memory_space<semaphore_mem>>)
      %dma_wait3A = arith.constant 0 : i32
      %dma_wait3A_77 = arith.constant 0 : i32
      %dma_wait3A_78 = arith.constant 0 : i32
      %dma_wait3A_79 = tpu.memref_slice %arg6[%run_scoped3A, %dma_wait3A, %dma_wait3A_77, %dma_wait3A_78] : memref<2x2x2x100xi32, #tpu.memory_space<vmem>> -> memref<1x2x2x100xi32, #tpu.memory_space<vmem>>
      %dma_wait3A_80 = tpu.memref_squeeze %dma_wait3A_79 : memref<1x2x2x100xi32, #tpu.memory_space<vmem>> -> memref<2x2x100xi32, #tpu.memory_space<vmem>>
      %dma_wait3A_81 = arith.constant 0 : i32
      %dma_wait3A_82 = arith.constant 0 : i32
      %dma_wait3A_83 = arith.constant 0 : i32
      %dma_wait3A_84 = tpu.memref_slice %arg3[%add3A, %dma_wait3A_81, %dma_wait3A_82, %dma_wait3A_83] : memref<32x100x2x100xi32, #tpu.memory_space<hbm>> -> memref<1x2x2x100xi32, #tpu.memory_space<hbm>>
      %dma_wait3A_85 = tpu.memref_squeeze %dma_wait3A_84 : memref<1x2x2x100xi32, #tpu.memory_space<hbm>> -> memref<2x2x100xi32, #tpu.memory_space<hbm>>
      %dma_wait3A_86 = arith.constant 0 : i32
      %dma_wait3A_87 = arith.constant 0 : i32
      %dma_wait3A_88 = arith.constant 0 : i32
      %dma_wait3A_89 = tpu.memref_slice %arg6[%run_scoped3A, %dma_wait3A_86, %dma_wait3A_87, %dma_wait3A_88] : memref<2x2x2x100xi32, #tpu.memory_space<vmem>> -> memref<1x2x2x100xi32, #tpu.memory_space<vmem>>
      %dma_wait3A_90 = tpu.memref_squeeze %dma_wait3A_89 : memref<1x2x2x100xi32, #tpu.memory_space<vmem>> -> memref<2x2x100xi32, #tpu.memory_space<vmem>>
      %dma_wait3A_91 = arith.constant 0 : i32
      %dma_wait3A_92 = arith.constant 0 : i32
      %dma_wait3A_93 = arith.constant 0 : i32
      %dma_wait3A_94 = tpu.memref_slice %arg3[%add3A, %dma_wait3A_91, %dma_wait3A_92, %dma_wait3A_93] : memref<32x100x2x100xi32, #tpu.memory_space<hbm>> -> memref<1x2x2x100xi32, #tpu.memory_space<hbm>>
      %dma_wait3A_95 = tpu.memref_squeeze %dma_wait3A_94 : memref<1x2x2x100xi32, #tpu.memory_space<hbm>> -> memref<2x2x100xi32, #tpu.memory_space<hbm>>
      tpu.wait_dma2 semaphore(%run_scoped3A_56 : memref<!tpu.dma_semaphore, #tpu.memory_space<semaphore_mem>>) src(%dma_wait3A_95 : memref<2x2x100xi32, #tpu.memory_space<hbm>>) dst(%dma_wait3A_90 : memref<2x2x100xi32, #tpu.memory_space<vmem>>)
      tpu.yield
    }) : () -> ()
    %dma_start3A = arith.constant 0 : i32
    %dma_start3A_28 = arith.constant 0 : i32
    %dma_start3A_29 = arith.constant 0 : i32
    %dma_start3A_30 = arith.constant 0 : i32
    %dma_start3A_31 = tpu.memref_slice %arg6[%dma_start3A, %dma_start3A_28, %dma_start3A_29, %dma_start3A_30] : memref<2x2x2x100xi32, #tpu.memory_space<vmem>> -> memref<1x1x1x100xi32, #tpu.memory_space<vmem>>
    %dma_start3A_32 = tpu.memref_squeeze %dma_start3A_31 : memref<1x1x1x100xi32, #tpu.memory_space<vmem>> -> memref<100xi32, #tpu.memory_space<vmem>>
    %dma_start3A_33 = arith.constant 0 : i32
    %dma_start3A_34 = arith.constant 0 : i32
    %dma_start3A_35 = tpu.memref_slice %arg2[%dma_start3A_33, %dma_start3A_34] : memref<80000x128xf32, #tpu.memory_space<hbm>> -> memref<80000x128xf32, #tpu.memory_space<hbm>>
    tpu.enqueue_indirect_dma source(%dma_start3A_35 : memref<80000x128xf32, #tpu.memory_space<hbm>>) target(%arg7 : memref<100x128xf32, #tpu.memory_space<vmem>>) offsets(%dma_start3A_32 : memref<100xi32, #tpu.memory_space<vmem>>) semaphore(%arg12 : memref<!tpu.dma_semaphore, #tpu.memory_space<semaphore_mem>>)
    %scan3A_36 = arith.constant 0 : i32
    %scan3A_37 = arith.constant 0 : i32
    %scan3A_38 = arith.constant 25 : i32
    %scan3A_39 = arith.addi %scan3A_37, %scan3A_38 : i32
    %scan3A_40 = arith.constant 1 : i32
    %scan3A_41 = scf.for %scan3A_56 = %scan3A_37 to %scan3A_39 step %scan3A_40 iter_args(%scan3A_57 = %scan3A_36) -> (i32)  : i32 {
      %mul3A_58 = arith.constant 4 : i32
      %mul3A_59 = arith.muli %scan3A_56, %mul3A_58 : i32
      %add3A_60 = arith.constant 2 : i32
      %add3A_61 = arith.addi %mul3A_59, %add3A_60 : i32
      %run_scoped3A_62 = arith.constant 1 : i32
      "tpu.region"() ({
        %run_scoped3A_448 = tpu.sem_alloc : memref<!tpu.dma_semaphore, #tpu.memory_space<semaphore_mem>>
        %dma_start3A_449 = arith.constant 0 : i32
        %dma_start3A_450 = arith.constant 0 : i32
        %dma_start3A_451 = arith.constant 0 : i32
        %dma_start3A_452 = tpu.memref_slice %arg6[%run_scoped3A_62, %dma_start3A_449, %dma_start3A_450, %dma_start3A_451] : memref<2x2x2x100xi32, #tpu.memory_space<vmem>> -> memref<1x2x2x100xi32, #tpu.memory_space<vmem>>
        %dma_start3A_453 = tpu.memref_squeeze %dma_start3A_452 : memref<1x2x2x100xi32, #tpu.memory_space<vmem>> -> memref<2x2x100xi32, #tpu.memory_space<vmem>>
        %dma_start3A_454 = arith.constant 0 : i32
        %dma_start3A_455 = arith.constant 0 : i32
        %dma_start3A_456 = tpu.memref_slice %arg3[%add3A, %add3A_61, %dma_start3A_454, %dma_start3A_455] : memref<32x100x2x100xi32, #tpu.memory_space<hbm>> -> memref<1x2x2x100xi32, #tpu.memory_space<hbm>>
        %dma_start3A_457 = tpu.memref_squeeze %dma_start3A_456 : memref<1x2x2x100xi32, #tpu.memory_space<hbm>> -> memref<2x2x100xi32, #tpu.memory_space<hbm>>
        %dma_start3A_458 = arith.constant 0 : i32
        %dma_start3A_459 = arith.constant 0 : i32
        %dma_start3A_460 = arith.constant 0 : i32
        %dma_start3A_461 = tpu.memref_slice %arg6[%run_scoped3A_62, %dma_start3A_458, %dma_start3A_459, %dma_start3A_460] : memref<2x2x2x100xi32, #tpu.memory_space<vmem>> -> memref<1x2x2x100xi32, #tpu.memory_space<vmem>>
        %dma_start3A_462 = tpu.memref_squeeze %dma_start3A_461 : memref<1x2x2x100xi32, #tpu.memory_space<vmem>> -> memref<2x2x100xi32, #tpu.memory_space<vmem>>
        %dma_start3A_463 = arith.constant 0 : i32
        %dma_start3A_464 = arith.constant 0 : i32
        %dma_start3A_465 = tpu.memref_slice %arg3[%add3A, %add3A_61, %dma_start3A_463, %dma_start3A_464] : memref<32x100x2x100xi32, #tpu.memory_space<hbm>> -> memref<1x2x2x100xi32, #tpu.memory_space<hbm>>
        %dma_start3A_466 = tpu.memref_squeeze %dma_start3A_465 : memref<1x2x2x100xi32, #tpu.memory_space<hbm>> -> memref<2x2x100xi32, #tpu.memory_space<hbm>>
        tpu.enqueue_dma source(%dma_start3A_466 : memref<2x2x100xi32, #tpu.memory_space<hbm>>) target(%dma_start3A_462 : memref<2x2x100xi32, #tpu.memory_space<vmem>>) target_semaphore(%run_scoped3A_448 : memref<!tpu.dma_semaphore, #tpu.memory_space<semaphore_mem>>)
        %dma_wait3A_467 = arith.constant 0 : i32
        %dma_wait3A_468 = arith.constant 0 : i32
        %dma_wait3A_469 = arith.constant 0 : i32
        %dma_wait3A_470 = tpu.memref_slice %arg6[%run_scoped3A_62, %dma_wait3A_467, %dma_wait3A_468, %dma_wait3A_469] : memref<2x2x2x100xi32, #tpu.memory_space<vmem>> -> memref<1x2x2x100xi32, #tpu.memory_space<vmem>>
        %dma_wait3A_471 = tpu.memref_squeeze %dma_wait3A_470 : memref<1x2x2x100xi32, #tpu.memory_space<vmem>> -> memref<2x2x100xi32, #tpu.memory_space<vmem>>
        %dma_wait3A_472 = arith.constant 0 : i32
        %dma_wait3A_473 = arith.constant 0 : i32
        %dma_wait3A_474 = tpu.memref_slice %arg3[%add3A, %add3A_61, %dma_wait3A_472, %dma_wait3A_473] : memref<32x100x2x100xi32, #tpu.memory_space<hbm>> -> memref<1x2x2x100xi32, #tpu.memory_space<hbm>>
        %dma_wait3A_475 = tpu.memref_squeeze %dma_wait3A_474 : memref<1x2x2x100xi32, #tpu.memory_space<hbm>> -> memref<2x2x100xi32, #tpu.memory_space<hbm>>
        %dma_wait3A_476 = arith.constant 0 : i32
        %dma_wait3A_477 = arith.constant 0 : i32
        %dma_wait3A_478 = arith.constant 0 : i32
        %dma_wait3A_479 = tpu.memref_slice %arg6[%run_scoped3A_62, %dma_wait3A_476, %dma_wait3A_477, %dma_wait3A_478] : memref<2x2x2x100xi32, #tpu.memory_space<vmem>> -> memref<1x2x2x100xi32, #tpu.memory_space<vmem>>
        %dma_wait3A_480 = tpu.memref_squeeze %dma_wait3A_479 : memref<1x2x2x100xi32, #tpu.memory_space<vmem>> -> memref<2x2x100xi32, #tpu.memory_space<vmem>>
        %dma_wait3A_481 = arith.constant 0 : i32
        %dma_wait3A_482 = arith.constant 0 : i32
        %dma_wait3A_483 = tpu.memref_slice %arg3[%add3A, %add3A_61, %dma_wait3A_481, %dma_wait3A_482] : memref<32x100x2x100xi32, #tpu.memory_space<hbm>> -> memref<1x2x2x100xi32, #tpu.memory_space<hbm>>
        %dma_wait3A_484 = tpu.memref_squeeze %dma_wait3A_483 : memref<1x2x2x100xi32, #tpu.memory_space<hbm>> -> memref<2x2x100xi32, #tpu.memory_space<hbm>>
        tpu.wait_dma2 semaphore(%run_scoped3A_448 : memref<!tpu.dma_semaphore, #tpu.memory_space<semaphore_mem>>) src(%dma_wait3A_484 : memref<2x2x100xi32, #tpu.memory_space<hbm>>) dst(%dma_wait3A_480 : memref<2x2x100xi32, #tpu.memory_space<vmem>>)
        tpu.yield
      }) : () -> ()
      %dma_start3A_63 = arith.constant 0 : i32
      %dma_start3A_64 = arith.constant 1 : i32
      %dma_start3A_65 = arith.constant 0 : i32
      %dma_start3A_66 = arith.constant 0 : i32
      %dma_start3A_67 = tpu.memref_slice %arg6[%dma_start3A_63, %dma_start3A_64, %dma_start3A_65, %dma_start3A_66] : memref<2x2x2x100xi32, #tpu.memory_space<vmem>> -> memref<1x1x1x100xi32, #tpu.memory_space<vmem>>
      %dma_start3A_68 = tpu.memref_squeeze %dma_start3A_67 : memref<1x1x1x100xi32, #tpu.memory_space<vmem>> -> memref<100xi32, #tpu.memory_space<vmem>>
      %dma_start3A_69 = arith.constant 0 : i32
      %dma_start3A_70 = arith.constant 0 : i32
      %dma_start3A_71 = tpu.memref_slice %arg2[%dma_start3A_69, %dma_start3A_70] : memref<80000x128xf32, #tpu.memory_space<hbm>> -> memref<80000x128xf32, #tpu.memory_space<hbm>>
      tpu.enqueue_indirect_dma source(%dma_start3A_71 : memref<80000x128xf32, #tpu.memory_space<hbm>>) target(%arg8 : memref<100x128xf32, #tpu.memory_space<vmem>>) offsets(%dma_start3A_68 : memref<100xi32, #tpu.memory_space<vmem>>) semaphore(%arg13 : memref<!tpu.dma_semaphore, #tpu.memory_space<semaphore_mem>>)
      %dma_wait3A = arith.constant 0 : i32
      %dma_wait3A_72 = arith.constant 0 : i32
      %dma_wait3A_73 = arith.constant 0 : i32
      %dma_wait3A_74 = arith.constant 0 : i32
      %dma_wait3A_75 = tpu.memref_slice %arg6[%dma_wait3A, %dma_wait3A_72, %dma_wait3A_73, %dma_wait3A_74] : memref<2x2x2x100xi32, #tpu.memory_space<vmem>> -> memref<1x1x1x100xi32, #tpu.memory_space<vmem>>
      %dma_wait3A_76 = tpu.memref_squeeze %dma_wait3A_75 : memref<1x1x1x100xi32, #tpu.memory_space<vmem>> -> memref<100xi32, #tpu.memory_space<vmem>>
      %dma_wait3A_77 = arith.constant 0 : i32
      %dma_wait3A_78 = arith.constant 0 : i32
      %dma_wait3A_79 = tpu.memref_slice %arg2[%dma_wait3A_77, %dma_wait3A_78] : memref<80000x128xf32, #tpu.memory_space<hbm>> -> memref<80000x128xf32, #tpu.memory_space<hbm>>
      tpu.wait_indirect_dma semaphore(%arg12 : memref<!tpu.dma_semaphore, #tpu.memory_space<semaphore_mem>>) src(%dma_wait3A_79 : memref<80000x128xf32, #tpu.memory_space<hbm>>) dst(%arg7 : memref<100x128xf32, #tpu.memory_space<vmem>>)
      %dma_start3A_80 = arith.constant 0 : i32
      %dma_start3A_81 = arith.constant 0 : i32
      %dma_start3A_82 = arith.constant 1 : i32
      %dma_start3A_83 = arith.constant 0 : i32
      %dma_start3A_84 = tpu.memref_slice %arg6[%dma_start3A_80, %dma_start3A_81, %dma_start3A_82, %dma_start3A_83] : memref<2x2x2x100xi32, #tpu.memory_space<vmem>> -> memref<1x1x1x100xi32, #tpu.memory_space<vmem>>
      %dma_start3A_85 = tpu.memref_squeeze %dma_start3A_84 : memref<1x1x1x100xi32, #tpu.memory_space<vmem>> -> memref<100xi32, #tpu.memory_space<vmem>>
      %dma_start3A_86 = arith.constant 0 : i32
      %dma_start3A_87 = arith.constant 0 : i32
      %dma_start3A_88 = tpu.memref_slice %arg11[%dma_start3A_86, %dma_start3A_87] : memref<10000x128xf32, #tpu.memory_space<vmem_shared>> -> memref<10000x128xf32, #tpu.memory_space<vmem_shared>>
      tpu.enqueue_indirect_dma source(%arg7 : memref<100x128xf32, #tpu.memory_space<vmem>>) target(%dma_start3A_88 : memref<10000x128xf32, #tpu.memory_space<vmem_shared>>) offsets(%dma_start3A_85 : memref<100xi32, #tpu.memory_space<vmem>>) semaphore(%arg14 : memref<!tpu.dma_semaphore, #tpu.memory_space<semaphore_mem>>) {add = true}
      %get3A = arith.constant 0 : i32
      %get3A_89 = arith.constant 0 : i32
      %get3A_90 = arith.constant 1 : i32
      %get3A_91 = arith.index_cast %get3A : i32 to index
      %get3A_92 = arith.index_cast %get3A_89 : i32 to index
      %get3A_93 = arith.index_cast %get3A_90 : i32 to index
      %get3A_94 = arith.constant 0 : index
      %get3A_95 = tpu.vector_load %arg6[%get3A_91, %get3A_92, %get3A_93, %get3A_94] {strides = array<i32>} : memref<2x2x2x100xi32, #tpu.memory_space<vmem>>, vector<16xi32>,
      tpu.vector_store_idx %arg10[%get3A_95], %broadcast_in_dim3A_3 {add = true} : memref<10000xf32, #tpu.memory_space<vmem>>[vector<16xi32>], vector<16xf32>,
      %get3A_96 = arith.constant 0 : i32
      %get3A_97 = arith.constant 0 : i32
      %get3A_98 = arith.constant 1 : i32
      %get3A_99 = arith.index_cast %get3A_96 : i32 to index
      %get3A_100 = arith.index_cast %get3A_97 : i32 to index
      %get3A_101 = arith.index_cast %get3A_98 : i32 to index
      %get3A_102 = arith.constant 16 : index
      %get3A_103 = tpu.vector_load %arg6[%get3A_99, %get3A_100, %get3A_101, %get3A_102] {strides = array<i32>} : memref<2x2x2x100xi32, #tpu.memory_space<vmem>>, vector<16xi32>,
      tpu.vector_store_idx %arg10[%get3A_103], %broadcast_in_dim3A_3 {add = true} : memref<10000xf32, #tpu.memory_space<vmem>>[vector<16xi32>], vector<16xf32>,
      %get3A_104 = arith.constant 0 : i32
      %get3A_105 = arith.constant 0 : i32
      %get3A_106 = arith.constant 1 : i32
      %get3A_107 = arith.index_cast %get3A_104 : i32 to index
      %get3A_108 = arith.index_cast %get3A_105 : i32 to index
      %get3A_109 = arith.index_cast %get3A_106 : i32 to index
      %get3A_110 = arith.constant 32 : index
      %get3A_111 = tpu.vector_load %arg6[%get3A_107, %get3A_108, %get3A_109, %get3A_110] {strides = array<i32>} : memref<2x2x2x100xi32, #tpu.memory_space<vmem>>, vector<16xi32>,
      tpu.vector_store_idx %arg10[%get3A_111], %broadcast_in_dim3A_3 {add = true} : memref<10000xf32, #tpu.memory_space<vmem>>[vector<16xi32>], vector<16xf32>,
      %get3A_112 = arith.constant 0 : i32
      %get3A_113 = arith.constant 0 : i32
      %get3A_114 = arith.constant 1 : i32
      %get3A_115 = arith.index_cast %get3A_112 : i32 to index
      %get3A_116 = arith.index_cast %get3A_113 : i32 to index
      %get3A_117 = arith.index_cast %get3A_114 : i32 to index
      %get3A_118 = arith.constant 48 : index
      %get3A_119 = tpu.vector_load %arg6[%get3A_115, %get3A_116, %get3A_117, %get3A_118] {strides = array<i32>} : memref<2x2x2x100xi32, #tpu.memory_space<vmem>>, vector<16xi32>,
      tpu.vector_store_idx %arg10[%get3A_119], %broadcast_in_dim3A_3 {add = true} : memref<10000xf32, #tpu.memory_space<vmem>>[vector<16xi32>], vector<16xf32>,
      %get3A_120 = arith.constant 0 : i32
      %get3A_121 = arith.constant 0 : i32
      %get3A_122 = arith.constant 1 : i32
      %get3A_123 = arith.index_cast %get3A_120 : i32 to index
      %get3A_124 = arith.index_cast %get3A_121 : i32 to index
      %get3A_125 = arith.index_cast %get3A_122 : i32 to index
      %get3A_126 = arith.constant 64 : index
      %get3A_127 = tpu.vector_load %arg6[%get3A_123, %get3A_124, %get3A_125, %get3A_126] {strides = array<i32>} : memref<2x2x2x100xi32, #tpu.memory_space<vmem>>, vector<16xi32>,
      tpu.vector_store_idx %arg10[%get3A_127], %broadcast_in_dim3A_3 {add = true} : memref<10000xf32, #tpu.memory_space<vmem>>[vector<16xi32>], vector<16xf32>,
      %get3A_128 = arith.constant 0 : i32
      %get3A_129 = arith.constant 0 : i32
      %get3A_130 = arith.constant 1 : i32
      %get3A_131 = arith.index_cast %get3A_128 : i32 to index
      %get3A_132 = arith.index_cast %get3A_129 : i32 to index
      %get3A_133 = arith.index_cast %get3A_130 : i32 to index
      %get3A_134 = arith.constant 80 : index
      %get3A_135 = tpu.vector_load %arg6[%get3A_131, %get3A_132, %get3A_133, %get3A_134] {strides = array<i32>} : memref<2x2x2x100xi32, #tpu.memory_space<vmem>>, vector<16xi32>,
      tpu.vector_store_idx %arg10[%get3A_135], %broadcast_in_dim3A_3 {add = true} : memref<10000xf32, #tpu.memory_space<vmem>>[vector<16xi32>], vector<16xf32>,
      %iota3A = tpu.iota {dimensions = array<i32: 0>} : vector<16xi32>
      %get3A_136 = arith.constant 0 : i32
      %get3A_137 = arith.constant 0 : i32
      %get3A_138 = arith.constant 1 : i32
      %get3A_139 = arith.index_cast %get3A_136 : i32 to index
      %get3A_140 = arith.index_cast %get3A_137 : i32 to index
      %get3A_141 = arith.index_cast %get3A_138 : i32 to index
      %get3A_142 = arith.constant 84 : index
      %get3A_143 = tpu.vector_load %arg6[%get3A_139, %get3A_140, %get3A_141, %get3A_142] {strides = array<i32>} : memref<2x2x2x100xi32, #tpu.memory_space<vmem>>, vector<16xi32>,
      %ge3A = arith.constant 12 : i32
      %ge3A_144 = vector.broadcast %ge3A : i32 to vector<16xi32>
      %ge3A_145 = arith.cmpi sge, %iota3A, %ge3A_144 : vector<16xi32>
      tpu.vector_store_idx %arg10[%get3A_143], %broadcast_in_dim3A_3 masked %ge3A_145 {add = true} : memref<10000xf32, #tpu.memory_space<vmem>>[vector<16xi32>], vector<16xf32>, vector<16xi1>
      %dma_wait3A_146 = arith.constant 0 : i32
      %dma_wait3A_147 = arith.constant 1 : i32
      %dma_wait3A_148 = arith.constant 0 : i32
      %dma_wait3A_149 = arith.constant 0 : i32
      %dma_wait3A_150 = tpu.memref_slice %arg6[%dma_wait3A_146, %dma_wait3A_147, %dma_wait3A_148, %dma_wait3A_149] : memref<2x2x2x100xi32, #tpu.memory_space<vmem>> -> memref<1x1x1x100xi32, #tpu.memory_space<vmem>>
      %dma_wait3A_151 = tpu.memref_squeeze %dma_wait3A_150 : memref<1x1x1x100xi32, #tpu.memory_space<vmem>> -> memref<100xi32, #tpu.memory_space<vmem>>
      %dma_wait3A_152 = arith.constant 0 : i32
      %dma_wait3A_153 = arith.constant 0 : i32
      %dma_wait3A_154 = tpu.memref_slice %arg2[%dma_wait3A_152, %dma_wait3A_153] : memref<80000x128xf32, #tpu.memory_space<hbm>> -> memref<80000x128xf32, #tpu.memory_space<hbm>>
      tpu.wait_indirect_dma semaphore(%arg13 : memref<!tpu.dma_semaphore, #tpu.memory_space<semaphore_mem>>) src(%dma_wait3A_154 : memref<80000x128xf32, #tpu.memory_space<hbm>>) dst(%arg8 : memref<100x128xf32, #tpu.memory_space<vmem>>)
      %dma_start3A_155 = arith.constant 0 : i32
      %dma_start3A_156 = arith.constant 1 : i32
      %dma_start3A_157 = arith.constant 1 : i32
      %dma_start3A_158 = arith.constant 0 : i32
      %dma_start3A_159 = tpu.memref_slice %arg6[%dma_start3A_155, %dma_start3A_156, %dma_start3A_157, %dma_start3A_158] : memref<2x2x2x100xi32, #tpu.memory_space<vmem>> -> memref<1x1x1x100xi32, #tpu.memory_space<vmem>>
      %dma_start3A_160 = tpu.memref_squeeze %dma_start3A_159 : memref<1x1x1x100xi32, #tpu.memory_space<vmem>> -> memref<100xi32, #tpu.memory_space<vmem>>
      %dma_start3A_161 = arith.constant 0 : i32
      %dma_start3A_162 = arith.constant 0 : i32
      %dma_start3A_163 = tpu.memref_slice %arg11[%dma_start3A_161, %dma_start3A_162] : memref<10000x128xf32, #tpu.memory_space<vmem_shared>> -> memref<10000x128xf32, #tpu.memory_space<vmem_shared>>
      tpu.enqueue_indirect_dma source(%arg8 : memref<100x128xf32, #tpu.memory_space<vmem>>) target(%dma_start3A_163 : memref<10000x128xf32, #tpu.memory_space<vmem_shared>>) offsets(%dma_start3A_160 : memref<100xi32, #tpu.memory_space<vmem>>) semaphore(%arg15 : memref<!tpu.dma_semaphore, #tpu.memory_space<semaphore_mem>>) {add = true}
      %get3A_164 = arith.constant 0 : i32
      %get3A_165 = arith.constant 1 : i32
      %get3A_166 = arith.constant 1 : i32
      %get3A_167 = arith.index_cast %get3A_164 : i32 to index
      %get3A_168 = arith.index_cast %get3A_165 : i32 to index
      %get3A_169 = arith.index_cast %get3A_166 : i32 to index
      %get3A_170 = arith.constant 0 : index
      %get3A_171 = tpu.vector_load %arg6[%get3A_167, %get3A_168, %get3A_169, %get3A_170] {strides = array<i32>} : memref<2x2x2x100xi32, #tpu.memory_space<vmem>>, vector<16xi32>,
      tpu.vector_store_idx %arg10[%get3A_171], %broadcast_in_dim3A_3 {add = true} : memref<10000xf32, #tpu.memory_space<vmem>>[vector<16xi32>], vector<16xf32>,
      %get3A_172 = arith.constant 0 : i32
      %get3A_173 = arith.constant 1 : i32
      %get3A_174 = arith.constant 1 : i32
      %get3A_175 = arith.index_cast %get3A_172 : i32 to index
      %get3A_176 = arith.index_cast %get3A_173 : i32 to index
      %get3A_177 = arith.index_cast %get3A_174 : i32 to index
      %get3A_178 = arith.constant 16 : index
      %get3A_179 = tpu.vector_load %arg6[%get3A_175, %get3A_176, %get3A_177, %get3A_178] {strides = array<i32>} : memref<2x2x2x100xi32, #tpu.memory_space<vmem>>, vector<16xi32>,
      tpu.vector_store_idx %arg10[%get3A_179], %broadcast_in_dim3A_3 {add = true} : memref<10000xf32, #tpu.memory_space<vmem>>[vector<16xi32>], vector<16xf32>,
      %get3A_180 = arith.constant 0 : i32
      %get3A_181 = arith.constant 1 : i32
      %get3A_182 = arith.constant 1 : i32
      %get3A_183 = arith.index_cast %get3A_180 : i32 to index
      %get3A_184 = arith.index_cast %get3A_181 : i32 to index
      %get3A_185 = arith.index_cast %get3A_182 : i32 to index
      %get3A_186 = arith.constant 32 : index
      %get3A_187 = tpu.vector_load %arg6[%get3A_183, %get3A_184, %get3A_185, %get3A_186] {strides = array<i32>} : memref<2x2x2x100xi32, #tpu.memory_space<vmem>>, vector<16xi32>,
      tpu.vector_store_idx %arg10[%get3A_187], %broadcast_in_dim3A_3 {add = true} : memref<10000xf32, #tpu.memory_space<vmem>>[vector<16xi32>], vector<16xf32>,
      %get3A_188 = arith.constant 0 : i32
      %get3A_189 = arith.constant 1 : i32
      %get3A_190 = arith.constant 1 : i32
      %get3A_191 = arith.index_cast %get3A_188 : i32 to index
      %get3A_192 = arith.index_cast %get3A_189 : i32 to index
      %get3A_193 = arith.index_cast %get3A_190 : i32 to index
      %get3A_194 = arith.constant 48 : index
      %get3A_195 = tpu.vector_load %arg6[%get3A_191, %get3A_192, %get3A_193, %get3A_194] {strides = array<i32>} : memref<2x2x2x100xi32, #tpu.memory_space<vmem>>, vector<16xi32>,
      tpu.vector_store_idx %arg10[%get3A_195], %broadcast_in_dim3A_3 {add = true} : memref<10000xf32, #tpu.memory_space<vmem>>[vector<16xi32>], vector<16xf32>,
      %get3A_196 = arith.constant 0 : i32
      %get3A_197 = arith.constant 1 : i32
      %get3A_198 = arith.constant 1 : i32
      %get3A_199 = arith.index_cast %get3A_196 : i32 to index
      %get3A_200 = arith.index_cast %get3A_197 : i32 to index
      %get3A_201 = arith.index_cast %get3A_198 : i32 to index
      %get3A_202 = arith.constant 64 : index
      %get3A_203 = tpu.vector_load %arg6[%get3A_199, %get3A_200, %get3A_201, %get3A_202] {strides = array<i32>} : memref<2x2x2x100xi32, #tpu.memory_space<vmem>>, vector<16xi32>,
      tpu.vector_store_idx %arg10[%get3A_203], %broadcast_in_dim3A_3 {add = true} : memref<10000xf32, #tpu.memory_space<vmem>>[vector<16xi32>], vector<16xf32>,
      %get3A_204 = arith.constant 0 : i32
      %get3A_205 = arith.constant 1 : i32
      %get3A_206 = arith.constant 1 : i32
      %get3A_207 = arith.index_cast %get3A_204 : i32 to index
      %get3A_208 = arith.index_cast %get3A_205 : i32 to index
      %get3A_209 = arith.index_cast %get3A_206 : i32 to index
      %get3A_210 = arith.constant 80 : index
      %get3A_211 = tpu.vector_load %arg6[%get3A_207, %get3A_208, %get3A_209, %get3A_210] {strides = array<i32>} : memref<2x2x2x100xi32, #tpu.memory_space<vmem>>, vector<16xi32>,
      tpu.vector_store_idx %arg10[%get3A_211], %broadcast_in_dim3A_3 {add = true} : memref<10000xf32, #tpu.memory_space<vmem>>[vector<16xi32>], vector<16xf32>,
      %iota3A_212 = tpu.iota {dimensions = array<i32: 0>} : vector<16xi32>
      %get3A_213 = arith.constant 0 : i32
      %get3A_214 = arith.constant 1 : i32
      %get3A_215 = arith.constant 1 : i32
      %get3A_216 = arith.index_cast %get3A_213 : i32 to index
      %get3A_217 = arith.index_cast %get3A_214 : i32 to index
      %get3A_218 = arith.index_cast %get3A_215 : i32 to index
      %get3A_219 = arith.constant 84 : index
      %get3A_220 = tpu.vector_load %arg6[%get3A_216, %get3A_217, %get3A_218, %get3A_219] {strides = array<i32>} : memref<2x2x2x100xi32, #tpu.memory_space<vmem>>, vector<16xi32>,
      %ge3A_221 = arith.constant 12 : i32
      %ge3A_222 = vector.broadcast %ge3A_221 : i32 to vector<16xi32>
      %ge3A_223 = arith.cmpi sge, %iota3A_212, %ge3A_222 : vector<16xi32>
      tpu.vector_store_idx %arg10[%get3A_220], %broadcast_in_dim3A_3 masked %ge3A_223 {add = true} : memref<10000xf32, #tpu.memory_space<vmem>>[vector<16xi32>], vector<16xf32>, vector<16xi1>
      %dma_wait3A_224 = arith.constant 0 : i32
      %dma_wait3A_225 = arith.constant 0 : i32
      %dma_wait3A_226 = arith.constant 1 : i32
      %dma_wait3A_227 = arith.constant 0 : i32
      %dma_wait3A_228 = tpu.memref_slice %arg6[%dma_wait3A_224, %dma_wait3A_225, %dma_wait3A_226, %dma_wait3A_227] : memref<2x2x2x100xi32, #tpu.memory_space<vmem>> -> memref<1x1x1x100xi32, #tpu.memory_space<vmem>>
      %dma_wait3A_229 = tpu.memref_squeeze %dma_wait3A_228 : memref<1x1x1x100xi32, #tpu.memory_space<vmem>> -> memref<100xi32, #tpu.memory_space<vmem>>
      %dma_wait3A_230 = arith.constant 0 : i32
      %dma_wait3A_231 = arith.constant 0 : i32
      %dma_wait3A_232 = tpu.memref_slice %arg11[%dma_wait3A_230, %dma_wait3A_231] : memref<10000x128xf32, #tpu.memory_space<vmem_shared>> -> memref<10000x128xf32, #tpu.memory_space<vmem_shared>>
      tpu.wait_indirect_dma semaphore(%arg14 : memref<!tpu.dma_semaphore, #tpu.memory_space<semaphore_mem>>) src(%arg7 : memref<100x128xf32, #tpu.memory_space<vmem>>) dst(%dma_wait3A_232 : memref<10000x128xf32, #tpu.memory_space<vmem_shared>>)
      %dma_start3A_233 = arith.constant 1 : i32
      %dma_start3A_234 = arith.constant 0 : i32
      %dma_start3A_235 = arith.constant 0 : i32
      %dma_start3A_236 = arith.constant 0 : i32
      %dma_start3A_237 = tpu.memref_slice %arg6[%dma_start3A_233, %dma_start3A_234, %dma_start3A_235, %dma_start3A_236] : memref<2x2x2x100xi32, #tpu.memory_space<vmem>> -> memref<1x1x1x100xi32, #tpu.memory_space<vmem>>
      %dma_start3A_238 = tpu.memref_squeeze %dma_start3A_237 : memref<1x1x1x100xi32, #tpu.memory_space<vmem>> -> memref<100xi32, #tpu.memory_space<vmem>>
      %dma_start3A_239 = arith.constant 0 : i32
      %dma_start3A_240 = arith.constant 0 : i32
      %dma_start3A_241 = tpu.memref_slice %arg2[%dma_start3A_239, %dma_start3A_240] : memref<80000x128xf32, #tpu.memory_space<hbm>> -> memref<80000x128xf32, #tpu.memory_space<hbm>>
      tpu.enqueue_indirect_dma source(%dma_start3A_241 : memref<80000x128xf32, #tpu.memory_space<hbm>>) target(%arg7 : memref<100x128xf32, #tpu.memory_space<vmem>>) offsets(%dma_start3A_238 : memref<100xi32, #tpu.memory_space<vmem>>) semaphore(%arg12 : memref<!tpu.dma_semaphore, #tpu.memory_space<semaphore_mem>>)
      %dma_wait3A_242 = arith.constant 0 : i32
      %dma_wait3A_243 = arith.constant 1 : i32
      %dma_wait3A_244 = arith.constant 1 : i32
      %dma_wait3A_245 = arith.constant 0 : i32
      %dma_wait3A_246 = tpu.memref_slice %arg6[%dma_wait3A_242, %dma_wait3A_243, %dma_wait3A_244, %dma_wait3A_245] : memref<2x2x2x100xi32, #tpu.memory_space<vmem>> -> memref<1x1x1x100xi32, #tpu.memory_space<vmem>>
      %dma_wait3A_247 = tpu.memref_squeeze %dma_wait3A_246 : memref<1x1x1x100xi32, #tpu.memory_space<vmem>> -> memref<100xi32, #tpu.memory_space<vmem>>
      %dma_wait3A_248 = arith.constant 0 : i32
      %dma_wait3A_249 = arith.constant 0 : i32
      %dma_wait3A_250 = tpu.memref_slice %arg11[%dma_wait3A_248, %dma_wait3A_249] : memref<10000x128xf32, #tpu.memory_space<vmem_shared>> -> memref<10000x128xf32, #tpu.memory_space<vmem_shared>>
      tpu.wait_indirect_dma semaphore(%arg15 : memref<!tpu.dma_semaphore, #tpu.memory_space<semaphore_mem>>) src(%arg8 : memref<100x128xf32, #tpu.memory_space<vmem>>) dst(%dma_wait3A_250 : memref<10000x128xf32, #tpu.memory_space<vmem_shared>>)
      %dma_start3A_251 = arith.constant 1 : i32
      %dma_start3A_252 = arith.constant 1 : i32
      %dma_start3A_253 = arith.constant 0 : i32
      %dma_start3A_254 = arith.constant 0 : i32
      %dma_start3A_255 = tpu.memref_slice %arg6[%dma_start3A_251, %dma_start3A_252, %dma_start3A_253, %dma_start3A_254] : memref<2x2x2x100xi32, #tpu.memory_space<vmem>> -> memref<1x1x1x100xi32, #tpu.memory_space<vmem>>
      %dma_start3A_256 = tpu.memref_squeeze %dma_start3A_255 : memref<1x1x1x100xi32, #tpu.memory_space<vmem>> -> memref<100xi32, #tpu.memory_space<vmem>>
      %dma_start3A_257 = arith.constant 0 : i32
      %dma_start3A_258 = arith.constant 0 : i32
      %dma_start3A_259 = tpu.memref_slice %arg2[%dma_start3A_257, %dma_start3A_258] : memref<80000x128xf32, #tpu.memory_space<hbm>> -> memref<80000x128xf32, #tpu.memory_space<hbm>>
      tpu.enqueue_indirect_dma source(%dma_start3A_259 : memref<80000x128xf32, #tpu.memory_space<hbm>>) target(%arg8 : memref<100x128xf32, #tpu.memory_space<vmem>>) offsets(%dma_start3A_256 : memref<100xi32, #tpu.memory_space<vmem>>) semaphore(%arg13 : memref<!tpu.dma_semaphore, #tpu.memory_space<semaphore_mem>>)
      %add3A_260 = arith.constant 4 : i32
      %add3A_261 = arith.addi %mul3A_59, %add3A_260 : i32
      %lt3A = arith.constant 100 : i32
      %lt3A_262 = arith.cmpi slt, %add3A_261, %lt3A : i32
      %convert_element_type3A_263 = arith.extui %lt3A_262 : i1 to i32
      %cond3A_264 = arith.constant 0 : i32
      %cond3A_265 = arith.cmpi ne, %convert_element_type3A_263, %cond3A_264 : i32
      scf.if %cond3A_265 {
        %add3A_448 = arith.constant 4 : i32
        %add3A_449 = arith.addi %mul3A_59, %add3A_448 : i32
        %run_scoped3A_450 = arith.constant 0 : i32
        "tpu.region"() ({
          %run_scoped3A_451 = tpu.sem_alloc : memref<!tpu.dma_semaphore, #tpu.memory_space<semaphore_mem>>
          %dma_start3A_452 = arith.constant 0 : i32
          %dma_start3A_453 = arith.constant 0 : i32
          %dma_start3A_454 = arith.constant 0 : i32
          %dma_start3A_455 = tpu.memref_slice %arg6[%run_scoped3A_450, %dma_start3A_452, %dma_start3A_453, %dma_start3A_454] : memref<2x2x2x100xi32, #tpu.memory_space<vmem>> -> memref<1x2x2x100xi32, #tpu.memory_space<vmem>>
          %dma_start3A_456 = tpu.memref_squeeze %dma_start3A_455 : memref<1x2x2x100xi32, #tpu.memory_space<vmem>> -> memref<2x2x100xi32, #tpu.memory_space<vmem>>
          %dma_start3A_457 = arith.constant 0 : i32
          %dma_start3A_458 = arith.constant 0 : i32
          %dma_start3A_459 = tpu.memref_slice %arg3[%add3A, %add3A_449, %dma_start3A_457, %dma_start3A_458] : memref<32x100x2x100xi32, #tpu.memory_space<hbm>> -> memref<1x2x2x100xi32, #tpu.memory_space<hbm>>
          %dma_start3A_460 = tpu.memref_squeeze %dma_start3A_459 : memref<1x2x2x100xi32, #tpu.memory_space<hbm>> -> memref<2x2x100xi32, #tpu.memory_space<hbm>>
          %dma_start3A_461 = arith.constant 0 : i32
          %dma_start3A_462 = arith.constant 0 : i32
          %dma_start3A_463 = arith.constant 0 : i32
          %dma_start3A_464 = tpu.memref_slice %arg6[%run_scoped3A_450, %dma_start3A_461, %dma_start3A_462, %dma_start3A_463] : memref<2x2x2x100xi32, #tpu.memory_space<vmem>> -> memref<1x2x2x100xi32, #tpu.memory_space<vmem>>
          %dma_start3A_465 = tpu.memref_squeeze %dma_start3A_464 : memref<1x2x2x100xi32, #tpu.memory_space<vmem>> -> memref<2x2x100xi32, #tpu.memory_space<vmem>>
          %dma_start3A_466 = arith.constant 0 : i32
          %dma_start3A_467 = arith.constant 0 : i32
          %dma_start3A_468 = tpu.memref_slice %arg3[%add3A, %add3A_449, %dma_start3A_466, %dma_start3A_467] : memref<32x100x2x100xi32, #tpu.memory_space<hbm>> -> memref<1x2x2x100xi32, #tpu.memory_space<hbm>>
          %dma_start3A_469 = tpu.memref_squeeze %dma_start3A_468 : memref<1x2x2x100xi32, #tpu.memory_space<hbm>> -> memref<2x2x100xi32, #tpu.memory_space<hbm>>
          tpu.enqueue_dma source(%dma_start3A_469 : memref<2x2x100xi32, #tpu.memory_space<hbm>>) target(%dma_start3A_465 : memref<2x2x100xi32, #tpu.memory_space<vmem>>) target_semaphore(%run_scoped3A_451 : memref<!tpu.dma_semaphore, #tpu.memory_space<semaphore_mem>>)
          %dma_wait3A_470 = arith.constant 0 : i32
          %dma_wait3A_471 = arith.constant 0 : i32
          %dma_wait3A_472 = arith.constant 0 : i32
          %dma_wait3A_473 = tpu.memref_slice %arg6[%run_scoped3A_450, %dma_wait3A_470, %dma_wait3A_471, %dma_wait3A_472] : memref<2x2x2x100xi32, #tpu.memory_space<vmem>> -> memref<1x2x2x100xi32, #tpu.memory_space<vmem>>
          %dma_wait3A_474 = tpu.memref_squeeze %dma_wait3A_473 : memref<1x2x2x100xi32, #tpu.memory_space<vmem>> -> memref<2x2x100xi32, #tpu.memory_space<vmem>>
          %dma_wait3A_475 = arith.constant 0 : i32
          %dma_wait3A_476 = arith.constant 0 : i32
          %dma_wait3A_477 = tpu.memref_slice %arg3[%add3A, %add3A_449, %dma_wait3A_475, %dma_wait3A_476] : memref<32x100x2x100xi32, #tpu.memory_space<hbm>> -> memref<1x2x2x100xi32, #tpu.memory_space<hbm>>
          %dma_wait3A_478 = tpu.memref_squeeze %dma_wait3A_477 : memref<1x2x2x100xi32, #tpu.memory_space<hbm>> -> memref<2x2x100xi32, #tpu.memory_space<hbm>>
          %dma_wait3A_479 = arith.constant 0 : i32
          %dma_wait3A_480 = arith.constant 0 : i32
          %dma_wait3A_481 = arith.constant 0 : i32
          %dma_wait3A_482 = tpu.memref_slice %arg6[%run_scoped3A_450, %dma_wait3A_479, %dma_wait3A_480, %dma_wait3A_481] : memref<2x2x2x100xi32, #tpu.memory_space<vmem>> -> memref<1x2x2x100xi32, #tpu.memory_space<vmem>>
          %dma_wait3A_483 = tpu.memref_squeeze %dma_wait3A_482 : memref<1x2x2x100xi32, #tpu.memory_space<vmem>> -> memref<2x2x100xi32, #tpu.memory_space<vmem>>
          %dma_wait3A_484 = arith.constant 0 : i32
          %dma_wait3A_485 = arith.constant 0 : i32
          %dma_wait3A_486 = tpu.memref_slice %arg3[%add3A, %add3A_449, %dma_wait3A_484, %dma_wait3A_485] : memref<32x100x2x100xi32, #tpu.memory_space<hbm>> -> memref<1x2x2x100xi32, #tpu.memory_space<hbm>>
          %dma_wait3A_487 = tpu.memref_squeeze %dma_wait3A_486 : memref<1x2x2x100xi32, #tpu.memory_space<hbm>> -> memref<2x2x100xi32, #tpu.memory_space<hbm>>
          tpu.wait_dma2 semaphore(%run_scoped3A_451 : memref<!tpu.dma_semaphore, #tpu.memory_space<semaphore_mem>>) src(%dma_wait3A_487 : memref<2x2x100xi32, #tpu.memory_space<hbm>>) dst(%dma_wait3A_483 : memref<2x2x100xi32, #tpu.memory_space<vmem>>)
          tpu.yield
        }) : () -> ()
      } else {
      }
      %dma_wait3A_266 = arith.constant 1 : i32
      %dma_wait3A_267 = arith.constant 0 : i32
      %dma_wait3A_268 = arith.constant 0 : i32
      %dma_wait3A_269 = arith.constant 0 : i32
      %dma_wait3A_270 = tpu.memref_slice %arg6[%dma_wait3A_266, %dma_wait3A_267, %dma_wait3A_268, %dma_wait3A_269] : memref<2x2x2x100xi32, #tpu.memory_space<vmem>> -> memref<1x1x1x100xi32, #tpu.memory_space<vmem>>
      %dma_wait3A_271 = tpu.memref_squeeze %dma_wait3A_270 : memref<1x1x1x100xi32, #tpu.memory_space<vmem>> -> memref<100xi32, #tpu.memory_space<vmem>>
      %dma_wait3A_272 = arith.constant 0 : i32
      %dma_wait3A_273 = arith.constant 0 : i32
      %dma_wait3A_274 = tpu.memref_slice %arg2[%dma_wait3A_272, %dma_wait3A_273] : memref<80000x128xf32, #tpu.memory_space<hbm>> -> memref<80000x128xf32, #tpu.memory_space<hbm>>
      tpu.wait_indirect_dma semaphore(%arg12 : memref<!tpu.dma_semaphore, #tpu.memory_space<semaphore_mem>>) src(%dma_wait3A_274 : memref<80000x128xf32, #tpu.memory_space<hbm>>) dst(%arg7 : memref<100x128xf32, #tpu.memory_space<vmem>>)
      %dma_start3A_275 = arith.constant 1 : i32
      %dma_start3A_276 = arith.constant 0 : i32
      %dma_start3A_277 = arith.constant 1 : i32
      %dma_start3A_278 = arith.constant 0 : i32
      %dma_start3A_279 = tpu.memref_slice %arg6[%dma_start3A_275, %dma_start3A_276, %dma_start3A_277, %dma_start3A_278] : memref<2x2x2x100xi32, #tpu.memory_space<vmem>> -> memref<1x1x1x100xi32, #tpu.memory_space<vmem>>
      %dma_start3A_280 = tpu.memref_squeeze %dma_start3A_279 : memref<1x1x1x100xi32, #tpu.memory_space<vmem>> -> memref<100xi32, #tpu.memory_space<vmem>>
      %dma_start3A_281 = arith.constant 0 : i32
      %dma_start3A_282 = arith.constant 0 : i32
      %dma_start3A_283 = tpu.memref_slice %arg11[%dma_start3A_281, %dma_start3A_282] : memref<10000x128xf32, #tpu.memory_space<vmem_shared>> -> memref<10000x128xf32, #tpu.memory_space<vmem_shared>>
      tpu.enqueue_indirect_dma source(%arg7 : memref<100x128xf32, #tpu.memory_space<vmem>>) target(%dma_start3A_283 : memref<10000x128xf32, #tpu.memory_space<vmem_shared>>) offsets(%dma_start3A_280 : memref<100xi32, #tpu.memory_space<vmem>>) semaphore(%arg14 : memref<!tpu.dma_semaphore, #tpu.memory_space<semaphore_mem>>) {add = true}
      %get3A_284 = arith.constant 1 : i32
      %get3A_285 = arith.constant 0 : i32
      %get3A_286 = arith.constant 1 : i32
      %get3A_287 = arith.index_cast %get3A_284 : i32 to index
      %get3A_288 = arith.index_cast %get3A_285 : i32 to index
      %get3A_289 = arith.index_cast %get3A_286 : i32 to index
      %get3A_290 = arith.constant 0 : index
      %get3A_291 = tpu.vector_load %arg6[%get3A_287, %get3A_288, %get3A_289, %get3A_290] {strides = array<i32>} : memref<2x2x2x100xi32, #tpu.memory_space<vmem>>, vector<16xi32>,
      tpu.vector_store_idx %arg10[%get3A_291], %broadcast_in_dim3A_3 {add = true} : memref<10000xf32, #tpu.memory_space<vmem>>[vector<16xi32>], vector<16xf32>,
      %get3A_292 = arith.constant 1 : i32
      %get3A_293 = arith.constant 0 : i32
      %get3A_294 = arith.constant 1 : i32
      %get3A_295 = arith.index_cast %get3A_292 : i32 to index
      %get3A_296 = arith.index_cast %get3A_293 : i32 to index
      %get3A_297 = arith.index_cast %get3A_294 : i32 to index
      %get3A_298 = arith.constant 16 : index
      %get3A_299 = tpu.vector_load %arg6[%get3A_295, %get3A_296, %get3A_297, %get3A_298] {strides = array<i32>} : memref<2x2x2x100xi32, #tpu.memory_space<vmem>>, vector<16xi32>,
      tpu.vector_store_idx %arg10[%get3A_299], %broadcast_in_dim3A_3 {add = true} : memref<10000xf32, #tpu.memory_space<vmem>>[vector<16xi32>], vector<16xf32>,
      %get3A_300 = arith.constant 1 : i32
      %get3A_301 = arith.constant 0 : i32
      %get3A_302 = arith.constant 1 : i32
      %get3A_303 = arith.index_cast %get3A_300 : i32 to index
      %get3A_304 = arith.index_cast %get3A_301 : i32 to index
      %get3A_305 = arith.index_cast %get3A_302 : i32 to index
      %get3A_306 = arith.constant 32 : index
      %get3A_307 = tpu.vector_load %arg6[%get3A_303, %get3A_304, %get3A_305, %get3A_306] {strides = array<i32>} : memref<2x2x2x100xi32, #tpu.memory_space<vmem>>, vector<16xi32>,
      tpu.vector_store_idx %arg10[%get3A_307], %broadcast_in_dim3A_3 {add = true} : memref<10000xf32, #tpu.memory_space<vmem>>[vector<16xi32>], vector<16xf32>,
      %get3A_308 = arith.constant 1 : i32
      %get3A_309 = arith.constant 0 : i32
      %get3A_310 = arith.constant 1 : i32
      %get3A_311 = arith.index_cast %get3A_308 : i32 to index
      %get3A_312 = arith.index_cast %get3A_309 : i32 to index
      %get3A_313 = arith.index_cast %get3A_310 : i32 to index
      %get3A_314 = arith.constant 48 : index
      %get3A_315 = tpu.vector_load %arg6[%get3A_311, %get3A_312, %get3A_313, %get3A_314] {strides = array<i32>} : memref<2x2x2x100xi32, #tpu.memory_space<vmem>>, vector<16xi32>,
      tpu.vector_store_idx %arg10[%get3A_315], %broadcast_in_dim3A_3 {add = true} : memref<10000xf32, #tpu.memory_space<vmem>>[vector<16xi32>], vector<16xf32>,
      %get3A_316 = arith.constant 1 : i32
      %get3A_317 = arith.constant 0 : i32
      %get3A_318 = arith.constant 1 : i32
      %get3A_319 = arith.index_cast %get3A_316 : i32 to index
      %get3A_320 = arith.index_cast %get3A_317 : i32 to index
      %get3A_321 = arith.index_cast %get3A_318 : i32 to index
      %get3A_322 = arith.constant 64 : index
      %get3A_323 = tpu.vector_load %arg6[%get3A_319, %get3A_320, %get3A_321, %get3A_322] {strides = array<i32>} : memref<2x2x2x100xi32, #tpu.memory_space<vmem>>, vector<16xi32>,
      tpu.vector_store_idx %arg10[%get3A_323], %broadcast_in_dim3A_3 {add = true} : memref<10000xf32, #tpu.memory_space<vmem>>[vector<16xi32>], vector<16xf32>,
      %get3A_324 = arith.constant 1 : i32
      %get3A_325 = arith.constant 0 : i32
      %get3A_326 = arith.constant 1 : i32
      %get3A_327 = arith.index_cast %get3A_324 : i32 to index
      %get3A_328 = arith.index_cast %get3A_325 : i32 to index
      %get3A_329 = arith.index_cast %get3A_326 : i32 to index
      %get3A_330 = arith.constant 80 : index
      %get3A_331 = tpu.vector_load %arg6[%get3A_327, %get3A_328, %get3A_329, %get3A_330] {strides = array<i32>} : memref<2x2x2x100xi32, #tpu.memory_space<vmem>>, vector<16xi32>,
      tpu.vector_store_idx %arg10[%get3A_331], %broadcast_in_dim3A_3 {add = true} : memref<10000xf32, #tpu.memory_space<vmem>>[vector<16xi32>], vector<16xf32>,
      %iota3A_332 = tpu.iota {dimensions = array<i32: 0>} : vector<16xi32>
      %get3A_333 = arith.constant 1 : i32
      %get3A_334 = arith.constant 0 : i32
      %get3A_335 = arith.constant 1 : i32
      %get3A_336 = arith.index_cast %get3A_333 : i32 to index
      %get3A_337 = arith.index_cast %get3A_334 : i32 to index
      %get3A_338 = arith.index_cast %get3A_335 : i32 to index
      %get3A_339 = arith.constant 84 : index
      %get3A_340 = tpu.vector_load %arg6[%get3A_336, %get3A_337, %get3A_338, %get3A_339] {strides = array<i32>} : memref<2x2x2x100xi32, #tpu.memory_space<vmem>>, vector<16xi32>,
      %ge3A_341 = arith.constant 12 : i32
      %ge3A_342 = vector.broadcast %ge3A_341 : i32 to vector<16xi32>
      %ge3A_343 = arith.cmpi sge, %iota3A_332, %ge3A_342 : vector<16xi32>
      tpu.vector_store_idx %arg10[%get3A_340], %broadcast_in_dim3A_3 masked %ge3A_343 {add = true} : memref<10000xf32, #tpu.memory_space<vmem>>[vector<16xi32>], vector<16xf32>, vector<16xi1>
      %dma_wait3A_344 = arith.constant 1 : i32
      %dma_wait3A_345 = arith.constant 1 : i32
      %dma_wait3A_346 = arith.constant 0 : i32
      %dma_wait3A_347 = arith.constant 0 : i32
      %dma_wait3A_348 = tpu.memref_slice %arg6[%dma_wait3A_344, %dma_wait3A_345, %dma_wait3A_346, %dma_wait3A_347] : memref<2x2x2x100xi32, #tpu.memory_space<vmem>> -> memref<1x1x1x100xi32, #tpu.memory_space<vmem>>
      %dma_wait3A_349 = tpu.memref_squeeze %dma_wait3A_348 : memref<1x1x1x100xi32, #tpu.memory_space<vmem>> -> memref<100xi32, #tpu.memory_space<vmem>>
      %dma_wait3A_350 = arith.constant 0 : i32
      %dma_wait3A_351 = arith.constant 0 : i32
      %dma_wait3A_352 = tpu.memref_slice %arg2[%dma_wait3A_350, %dma_wait3A_351] : memref<80000x128xf32, #tpu.memory_space<hbm>> -> memref<80000x128xf32, #tpu.memory_space<hbm>>
      tpu.wait_indirect_dma semaphore(%arg13 : memref<!tpu.dma_semaphore, #tpu.memory_space<semaphore_mem>>) src(%dma_wait3A_352 : memref<80000x128xf32, #tpu.memory_space<hbm>>) dst(%arg8 : memref<100x128xf32, #tpu.memory_space<vmem>>)
      %dma_start3A_353 = arith.constant 1 : i32
      %dma_start3A_354 = arith.constant 1 : i32
      %dma_start3A_355 = arith.constant 1 : i32
      %dma_start3A_356 = arith.constant 0 : i32
      %dma_start3A_357 = tpu.memref_slice %arg6[%dma_start3A_353, %dma_start3A_354, %dma_start3A_355, %dma_start3A_356] : memref<2x2x2x100xi32, #tpu.memory_space<vmem>> -> memref<1x1x1x100xi32, #tpu.memory_space<vmem>>
      %dma_start3A_358 = tpu.memref_squeeze %dma_start3A_357 : memref<1x1x1x100xi32, #tpu.memory_space<vmem>> -> memref<100xi32, #tpu.memory_space<vmem>>
      %dma_start3A_359 = arith.constant 0 : i32
      %dma_start3A_360 = arith.constant 0 : i32
      %dma_start3A_361 = tpu.memref_slice %arg11[%dma_start3A_359, %dma_start3A_360] : memref<10000x128xf32, #tpu.memory_space<vmem_shared>> -> memref<10000x128xf32, #tpu.memory_space<vmem_shared>>
      tpu.enqueue_indirect_dma source(%arg8 : memref<100x128xf32, #tpu.memory_space<vmem>>) target(%dma_start3A_361 : memref<10000x128xf32, #tpu.memory_space<vmem_shared>>) offsets(%dma_start3A_358 : memref<100xi32, #tpu.memory_space<vmem>>) semaphore(%arg15 : memref<!tpu.dma_semaphore, #tpu.memory_space<semaphore_mem>>) {add = true}
      %get3A_362 = arith.constant 1 : i32
      %get3A_363 = arith.constant 1 : i32
      %get3A_364 = arith.constant 1 : i32
      %get3A_365 = arith.index_cast %get3A_362 : i32 to index
      %get3A_366 = arith.index_cast %get3A_363 : i32 to index
      %get3A_367 = arith.index_cast %get3A_364 : i32 to index
      %get3A_368 = arith.constant 0 : index
      %get3A_369 = tpu.vector_load %arg6[%get3A_365, %get3A_366, %get3A_367, %get3A_368] {strides = array<i32>} : memref<2x2x2x100xi32, #tpu.memory_space<vmem>>, vector<16xi32>,
      tpu.vector_store_idx %arg10[%get3A_369], %broadcast_in_dim3A_3 {add = true} : memref<10000xf32, #tpu.memory_space<vmem>>[vector<16xi32>], vector<16xf32>,
      %get3A_370 = arith.constant 1 : i32
      %get3A_371 = arith.constant 1 : i32
      %get3A_372 = arith.constant 1 : i32
      %get3A_373 = arith.index_cast %get3A_370 : i32 to index
      %get3A_374 = arith.index_cast %get3A_371 : i32 to index
      %get3A_375 = arith.index_cast %get3A_372 : i32 to index
      %get3A_376 = arith.constant 16 : index
      %get3A_377 = tpu.vector_load %arg6[%get3A_373, %get3A_374, %get3A_375, %get3A_376] {strides = array<i32>} : memref<2x2x2x100xi32, #tpu.memory_space<vmem>>, vector<16xi32>,
      tpu.vector_store_idx %arg10[%get3A_377], %broadcast_in_dim3A_3 {add = true} : memref<10000xf32, #tpu.memory_space<vmem>>[vector<16xi32>], vector<16xf32>,
      %get3A_378 = arith.constant 1 : i32
      %get3A_379 = arith.constant 1 : i32
      %get3A_380 = arith.constant 1 : i32
      %get3A_381 = arith.index_cast %get3A_378 : i32 to index
      %get3A_382 = arith.index_cast %get3A_379 : i32 to index
      %get3A_383 = arith.index_cast %get3A_380 : i32 to index
      %get3A_384 = arith.constant 32 : index
      %get3A_385 = tpu.vector_load %arg6[%get3A_381, %get3A_382, %get3A_383, %get3A_384] {strides = array<i32>} : memref<2x2x2x100xi32, #tpu.memory_space<vmem>>, vector<16xi32>,
      tpu.vector_store_idx %arg10[%get3A_385], %broadcast_in_dim3A_3 {add = true} : memref<10000xf32, #tpu.memory_space<vmem>>[vector<16xi32>], vector<16xf32>,
      %get3A_386 = arith.constant 1 : i32
      %get3A_387 = arith.constant 1 : i32
      %get3A_388 = arith.constant 1 : i32
      %get3A_389 = arith.index_cast %get3A_386 : i32 to index
      %get3A_390 = arith.index_cast %get3A_387 : i32 to index
      %get3A_391 = arith.index_cast %get3A_388 : i32 to index
      %get3A_392 = arith.constant 48 : index
      %get3A_393 = tpu.vector_load %arg6[%get3A_389, %get3A_390, %get3A_391, %get3A_392] {strides = array<i32>} : memref<2x2x2x100xi32, #tpu.memory_space<vmem>>, vector<16xi32>,
      tpu.vector_store_idx %arg10[%get3A_393], %broadcast_in_dim3A_3 {add = true} : memref<10000xf32, #tpu.memory_space<vmem>>[vector<16xi32>], vector<16xf32>,
      %get3A_394 = arith.constant 1 : i32
      %get3A_395 = arith.constant 1 : i32
      %get3A_396 = arith.constant 1 : i32
      %get3A_397 = arith.index_cast %get3A_394 : i32 to index
      %get3A_398 = arith.index_cast %get3A_395 : i32 to index
      %get3A_399 = arith.index_cast %get3A_396 : i32 to index
      %get3A_400 = arith.constant 64 : index
      %get3A_401 = tpu.vector_load %arg6[%get3A_397, %get3A_398, %get3A_399, %get3A_400] {strides = array<i32>} : memref<2x2x2x100xi32, #tpu.memory_space<vmem>>, vector<16xi32>,
      tpu.vector_store_idx %arg10[%get3A_401], %broadcast_in_dim3A_3 {add = true} : memref<10000xf32, #tpu.memory_space<vmem>>[vector<16xi32>], vector<16xf32>,
      %get3A_402 = arith.constant 1 : i32
      %get3A_403 = arith.constant 1 : i32
      %get3A_404 = arith.constant 1 : i32
      %get3A_405 = arith.index_cast %get3A_402 : i32 to index
      %get3A_406 = arith.index_cast %get3A_403 : i32 to index
      %get3A_407 = arith.index_cast %get3A_404 : i32 to index
      %get3A_408 = arith.constant 80 : index
      %get3A_409 = tpu.vector_load %arg6[%get3A_405, %get3A_406, %get3A_407, %get3A_408] {strides = array<i32>} : memref<2x2x2x100xi32, #tpu.memory_space<vmem>>, vector<16xi32>,
      tpu.vector_store_idx %arg10[%get3A_409], %broadcast_in_dim3A_3 {add = true} : memref<10000xf32, #tpu.memory_space<vmem>>[vector<16xi32>], vector<16xf32>,
      %iota3A_410 = tpu.iota {dimensions = array<i32: 0>} : vector<16xi32>
      %get3A_411 = arith.constant 1 : i32
      %get3A_412 = arith.constant 1 : i32
      %get3A_413 = arith.constant 1 : i32
      %get3A_414 = arith.index_cast %get3A_411 : i32 to index
      %get3A_415 = arith.index_cast %get3A_412 : i32 to index
      %get3A_416 = arith.index_cast %get3A_413 : i32 to index
      %get3A_417 = arith.constant 84 : index
      %get3A_418 = tpu.vector_load %arg6[%get3A_414, %get3A_415, %get3A_416, %get3A_417] {strides = array<i32>} : memref<2x2x2x100xi32, #tpu.memory_space<vmem>>, vector<16xi32>,
      %ge3A_419 = arith.constant 12 : i32
      %ge3A_420 = vector.broadcast %ge3A_419 : i32 to vector<16xi32>
      %ge3A_421 = arith.cmpi sge, %iota3A_410, %ge3A_420 : vector<16xi32>
      tpu.vector_store_idx %arg10[%get3A_418], %broadcast_in_dim3A_3 masked %ge3A_421 {add = true} : memref<10000xf32, #tpu.memory_space<vmem>>[vector<16xi32>], vector<16xf32>, vector<16xi1>
      %dma_wait3A_422 = arith.constant 1 : i32
      %dma_wait3A_423 = arith.constant 0 : i32
      %dma_wait3A_424 = arith.constant 1 : i32
      %dma_wait3A_425 = arith.constant 0 : i32
      %dma_wait3A_426 = tpu.memref_slice %arg6[%dma_wait3A_422, %dma_wait3A_423, %dma_wait3A_424, %dma_wait3A_425] : memref<2x2x2x100xi32, #tpu.memory_space<vmem>> -> memref<1x1x1x100xi32, #tpu.memory_space<vmem>>
      %dma_wait3A_427 = tpu.memref_squeeze %dma_wait3A_426 : memref<1x1x1x100xi32, #tpu.memory_space<vmem>> -> memref<100xi32, #tpu.memory_space<vmem>>
      %dma_wait3A_428 = arith.constant 0 : i32
      %dma_wait3A_429 = arith.constant 0 : i32
      %dma_wait3A_430 = tpu.memref_slice %arg11[%dma_wait3A_428, %dma_wait3A_429] : memref<10000x128xf32, #tpu.memory_space<vmem_shared>> -> memref<10000x128xf32, #tpu.memory_space<vmem_shared>>
      tpu.wait_indirect_dma semaphore(%arg14 : memref<!tpu.dma_semaphore, #tpu.memory_space<semaphore_mem>>) src(%arg7 : memref<100x128xf32, #tpu.memory_space<vmem>>) dst(%dma_wait3A_430 : memref<10000x128xf32, #tpu.memory_space<vmem_shared>>)
      %add3A_431 = arith.constant 4 : i32
      %add3A_432 = arith.addi %mul3A_59, %add3A_431 : i32
      %lt3A_433 = arith.constant 100 : i32
      %lt3A_434 = arith.cmpi slt, %add3A_432, %lt3A_433 : i32
      %convert_element_type3A_435 = arith.extui %lt3A_434 : i1 to i32
      %cond3A_436 = arith.constant 0 : i32
      %cond3A_437 = arith.cmpi ne, %convert_element_type3A_435, %cond3A_436 : i32
      scf.if %cond3A_437 {
        %dma_start3A_448 = arith.constant 0 : i32
        %dma_start3A_449 = arith.constant 0 : i32
        %dma_start3A_450 = arith.constant 0 : i32
        %dma_start3A_451 = arith.constant 0 : i32
        %dma_start3A_452 = tpu.memref_slice %arg6[%dma_start3A_448, %dma_start3A_449, %dma_start3A_450, %dma_start3A_451] : memref<2x2x2x100xi32, #tpu.memory_space<vmem>> -> memref<1x1x1x100xi32, #tpu.memory_space<vmem>>
        %dma_start3A_453 = tpu.memref_squeeze %dma_start3A_452 : memref<1x1x1x100xi32, #tpu.memory_space<vmem>> -> memref<100xi32, #tpu.memory_space<vmem>>
        %dma_start3A_454 = arith.constant 0 : i32
        %dma_start3A_455 = arith.constant 0 : i32
        %dma_start3A_456 = tpu.memref_slice %arg2[%dma_start3A_454, %dma_start3A_455] : memref<80000x128xf32, #tpu.memory_space<hbm>> -> memref<80000x128xf32, #tpu.memory_space<hbm>>
        tpu.enqueue_indirect_dma source(%dma_start3A_456 : memref<80000x128xf32, #tpu.memory_space<hbm>>) target(%arg7 : memref<100x128xf32, #tpu.memory_space<vmem>>) offsets(%dma_start3A_453 : memref<100xi32, #tpu.memory_space<vmem>>) semaphore(%arg12 : memref<!tpu.dma_semaphore, #tpu.memory_space<semaphore_mem>>)
      } else {
      }
      %dma_wait3A_438 = arith.constant 1 : i32
      %dma_wait3A_439 = arith.constant 1 : i32
      %dma_wait3A_440 = arith.constant 1 : i32
      %dma_wait3A_441 = arith.constant 0 : i32
      %dma_wait3A_442 = tpu.memref_slice %arg6[%dma_wait3A_438, %dma_wait3A_439, %dma_wait3A_440, %dma_wait3A_441] : memref<2x2x2x100xi32, #tpu.memory_space<vmem>> -> memref<1x1x1x100xi32, #tpu.memory_space<vmem>>
      %dma_wait3A_443 = tpu.memref_squeeze %dma_wait3A_442 : memref<1x1x1x100xi32, #tpu.memory_space<vmem>> -> memref<100xi32, #tpu.memory_space<vmem>>
      %dma_wait3A_444 = arith.constant 0 : i32
      %dma_wait3A_445 = arith.constant 0 : i32
      %dma_wait3A_446 = tpu.memref_slice %arg11[%dma_wait3A_444, %dma_wait3A_445] : memref<10000x128xf32, #tpu.memory_space<vmem_shared>> -> memref<10000x128xf32, #tpu.memory_space<vmem_shared>>
      tpu.wait_indirect_dma semaphore(%arg15 : memref<!tpu.dma_semaphore, #tpu.memory_space<semaphore_mem>>) src(%arg8 : memref<100x128xf32, #tpu.memory_space<vmem>>) dst(%dma_wait3A_446 : memref<10000x128xf32, #tpu.memory_space<vmem_shared>>)
      %scan3A_447 = arith.constant 0 : i32
      scf.yield %scan3A_447 : i32
    }
    %scan3A_42 = arith.constant 25 : i32
    "tpu.region"() ({
      %run_scoped3A_56 = tpu.sem_alloc : memref<!tpu.dma_semaphore, #tpu.memory_space<semaphore_mem>>
      %dma_start3A_57 = arith.constant 0 : i32
      %dma_start3A_58 = tpu.memref_slice %arg5[%arg0, %arg1, %dma_start3A_57] : memref<2x16x10000xf32, #tpu.memory_space<hbm>> -> memref<1x1x10000xf32, #tpu.memory_space<hbm>>
      %dma_start3A_59 = tpu.memref_squeeze %dma_start3A_58 : memref<1x1x10000xf32, #tpu.memory_space<hbm>> -> memref<10000xf32, #tpu.memory_space<hbm>>
      %dma_start3A_60 = arith.constant 0 : i32
      %dma_start3A_61 = tpu.memref_slice %arg5[%arg0, %arg1, %dma_start3A_60] : memref<2x16x10000xf32, #tpu.memory_space<hbm>> -> memref<1x1x10000xf32, #tpu.memory_space<hbm>>
      %dma_start3A_62 = tpu.memref_squeeze %dma_start3A_61 : memref<1x1x10000xf32, #tpu.memory_space<hbm>> -> memref<10000xf32, #tpu.memory_space<hbm>>
      tpu.enqueue_dma source(%arg10 : memref<10000xf32, #tpu.memory_space<vmem>>) target(%dma_start3A_62 : memref<10000xf32, #tpu.memory_space<hbm>>) target_semaphore(%run_scoped3A_56 : memref<!tpu.dma_semaphore, #tpu.memory_space<semaphore_mem>>)
      %dma_wait3A = arith.constant 0 : i32
      %dma_wait3A_63 = tpu.memref_slice %arg5[%arg0, %arg1, %dma_wait3A] : memref<2x16x10000xf32, #tpu.memory_space<hbm>> -> memref<1x1x10000xf32, #tpu.memory_space<hbm>>
      %dma_wait3A_64 = tpu.memref_squeeze %dma_wait3A_63 : memref<1x1x10000xf32, #tpu.memory_space<hbm>> -> memref<10000xf32, #tpu.memory_space<hbm>>
      %dma_wait3A_65 = arith.constant 0 : i32
      %dma_wait3A_66 = tpu.memref_slice %arg5[%arg0, %arg1, %dma_wait3A_65] : memref<2x16x10000xf32, #tpu.memory_space<hbm>> -> memref<1x1x10000xf32, #tpu.memory_space<hbm>>
      %dma_wait3A_67 = tpu.memref_squeeze %dma_wait3A_66 : memref<1x1x10000xf32, #tpu.memory_space<hbm>> -> memref<10000xf32, #tpu.memory_space<hbm>>
      tpu.wait_dma2 semaphore(%run_scoped3A_56 : memref<!tpu.dma_semaphore, #tpu.memory_space<semaphore_mem>>) src(%arg10 : memref<10000xf32, #tpu.memory_space<vmem>>) dst(%dma_wait3A_67 : memref<10000xf32, #tpu.memory_space<hbm>>)
      tpu.yield
    }) : () -> ()
    %barrier3A_43 = arith.constant 0 : index
    tpu.barrier barrier_id(%barrier3A_43)
    %scan3A_44 = arith.constant 0 : i32
    %scan3A_45 = arith.constant 0 : i32
    %scan3A_46 = arith.constant 13 : i32
    %scan3A_47 = arith.addi %scan3A_45, %scan3A_46 : i32
    %scan3A_48 = arith.constant 1 : i32
    %scan3A_49 = scf.for %scan3A_56 = %scan3A_45 to %scan3A_47 step %scan3A_48 iter_args(%scan3A_57 = %scan3A_44) -> (i32)  : i32 {
      %mul3A_58 = arith.constant 48 : i32
      %mul3A_59 = arith.muli %scan3A_56, %mul3A_58 : i32
      %add3A_60 = arith.addi %mul3A_18, %mul3A_59 : i32
      "tpu.region"() ({
        %run_scoped3A_62 = tpu.sem_alloc : memref<!tpu.dma_semaphore, #tpu.memory_space<semaphore_mem>>
        %dma_start3A_63 = arith.constant 0 : i32
        %dma_start3A_64 = tpu.memref_slice %arg4[%arg0, %add3A_60, %dma_start3A_63] : memref<2x10000x128xf32, #tpu.memory_space<hbm>> -> memref<1x48x128xf32, #tpu.memory_space<hbm>>
        %dma_start3A_65 = tpu.memref_squeeze %dma_start3A_64 : memref<1x48x128xf32, #tpu.memory_space<hbm>> -> memref<48x128xf32, #tpu.memory_space<hbm>>
        %dma_start3A_66 = arith.constant 0 : i32
        %dma_start3A_67 = tpu.memref_slice %arg11[%add3A_60, %dma_start3A_66] : memref<10000x128xf32, #tpu.memory_space<vmem_shared>> -> memref<48x128xf32, #tpu.memory_space<vmem_shared>>
        tpu.enqueue_dma source(%dma_start3A_67 : memref<48x128xf32, #tpu.memory_space<vmem_shared>>) target(%dma_start3A_65 : memref<48x128xf32, #tpu.memory_space<hbm>>) target_semaphore(%run_scoped3A_62 : memref<!tpu.dma_semaphore, #tpu.memory_space<semaphore_mem>>)
        %dma_wait3A = arith.constant 0 : i32
        %dma_wait3A_68 = tpu.memref_slice %arg4[%arg0, %add3A_60, %dma_wait3A] : memref<2x10000x128xf32, #tpu.memory_space<hbm>> -> memref<1x48x128xf32, #tpu.memory_space<hbm>>
        %dma_wait3A_69 = tpu.memref_squeeze %dma_wait3A_68 : memref<1x48x128xf32, #tpu.memory_space<hbm>> -> memref<48x128xf32, #tpu.memory_space<hbm>>
        %dma_wait3A_70 = arith.constant 0 : i32
        %dma_wait3A_71 = tpu.memref_slice %arg11[%add3A_60, %dma_wait3A_70] : memref<10000x128xf32, #tpu.memory_space<vmem_shared>> -> memref<48x128xf32, #tpu.memory_space<vmem_shared>>
        tpu.wait_dma2 semaphore(%run_scoped3A_62 : memref<!tpu.dma_semaphore, #tpu.memory_space<semaphore_mem>>) src(%dma_wait3A_71 : memref<48x128xf32, #tpu.memory_space<vmem_shared>>) dst(%dma_wait3A_69 : memref<48x128xf32, #tpu.memory_space<hbm>>)
        tpu.yield
      }) : () -> ()
      %scan3A_61 = arith.constant 0 : i32
      scf.yield %scan3A_61 : i32
    }
    %scan3A_50 = arith.constant 13 : i32
    %eq3A_51 = arith.constant 15 : i32
    %eq3A_52 = arith.cmpi eq, %arg1, %eq3A_51 : i32
    %convert_element_type3A_53 = arith.extui %eq3A_52 : i1 to i32
    %cond3A_54 = arith.constant 0 : i32
    %cond3A_55 = arith.cmpi ne, %convert_element_type3A_53, %cond3A_54 : i32
    scf.if %cond3A_55 {
      "tpu.region"() ({
        %run_scoped3A_56 = tpu.sem_alloc : memref<!tpu.dma_semaphore, #tpu.memory_space<semaphore_mem>>
        %dma_start3A_57 = arith.constant 9984 : i32
        %dma_start3A_58 = arith.constant 0 : i32
        %dma_start3A_59 = tpu.memref_slice %arg4[%arg0, %dma_start3A_57, %dma_start3A_58] : memref<2x10000x128xf32, #tpu.memory_space<hbm>> -> memref<1x16x128xf32, #tpu.memory_space<hbm>>
        %dma_start3A_60 = tpu.memref_squeeze %dma_start3A_59 : memref<1x16x128xf32, #tpu.memory_space<hbm>> -> memref<16x128xf32, #tpu.memory_space<hbm>>
        %dma_start3A_61 = arith.constant 9984 : i32
        %dma_start3A_62 = arith.constant 0 : i32
        %dma_start3A_63 = tpu.memref_slice %arg11[%dma_start3A_61, %dma_start3A_62] : memref<10000x128xf32, #tpu.memory_space<vmem_shared>> -> memref<16x128xf32, #tpu.memory_space<vmem_shared>>
        tpu.enqueue_dma source(%dma_start3A_63 : memref<16x128xf32, #tpu.memory_space<vmem_shared>>) target(%dma_start3A_60 : memref<16x128xf32, #tpu.memory_space<hbm>>) target_semaphore(%run_scoped3A_56 : memref<!tpu.dma_semaphore, #tpu.memory_space<semaphore_mem>>)
        %dma_wait3A = arith.constant 9984 : i32
        %dma_wait3A_64 = arith.constant 0 : i32
        %dma_wait3A_65 = tpu.memref_slice %arg4[%arg0, %dma_wait3A, %dma_wait3A_64] : memref<2x10000x128xf32, #tpu.memory_space<hbm>> -> memref<1x16x128xf32, #tpu.memory_space<hbm>>
        %dma_wait3A_66 = tpu.memref_squeeze %dma_wait3A_65 : memref<1x16x128xf32, #tpu.memory_space<hbm>> -> memref<16x128xf32, #tpu.memory_space<hbm>>
        %dma_wait3A_67 = arith.constant 9984 : i32
        %dma_wait3A_68 = arith.constant 0 : i32
        %dma_wait3A_69 = tpu.memref_slice %arg11[%dma_wait3A_67, %dma_wait3A_68] : memref<10000x128xf32, #tpu.memory_space<vmem_shared>> -> memref<16x128xf32, #tpu.memory_space<vmem_shared>>
        tpu.wait_dma2 semaphore(%run_scoped3A_56 : memref<!tpu.dma_semaphore, #tpu.memory_space<semaphore_mem>>) src(%dma_wait3A_69 : memref<16x128xf32, #tpu.memory_space<vmem_shared>>) dst(%dma_wait3A_66 : memref<16x128xf32, #tpu.memory_space<hbm>>)
        tpu.yield
      }) : () -> ()
    } else {
    }
    return
  }
}

module attributes {stable_mosaic.version = 14 : i64} {
  func.func @_tc_prep_body(%arg0: i32, %arg1: memref<8x4xf32, #tpu.memory_space<smem>>, %arg2: memref<10000x128xf32, #tpu.memory_space<vmem>>, %arg3: memref<4x128x128xf32, #tpu.memory_space<vmem>>, %arg4: memref<3200x1x100xi32, #tpu.memory_space<vmem>>, %arg5: memref<3200x1x100xi32, #tpu.memory_space<vmem>>, %arg6: memref<3200x1x100xi32, #tpu.memory_space<vmem>>, %arg7: memref<10000x128xf32, #tpu.memory_space<vmem>>, %arg8: memref<3200x2x100xi32, #tpu.memory_space<vmem>>) attributes {dimension_semantics = [#tpu.dimension_semantics<arbitrary>], iteration_bounds = array<i64: 8>, scalar_prefetch = 0 : i64, scratch_operands = 0 : i64, tpu.core_type = #tpu.core_type<tc>, window_params = [{transform_indices = @transform_0, window_bounds = array<i64: 8, 4>}, {pipeline_mode = #tpu.pipeline_mode<synchronous>, transform_indices = @transform_1, window_bounds = array<i64: 10000, 128>}, {pipeline_mode = #tpu.pipeline_mode<synchronous>, transform_indices = @transform_2, window_bounds = array<i64: 4, 128, 128>}, {pipeline_mode = #tpu.pipeline_mode<synchronous>, transform_indices = @transform_3, window_bounds = array<i64: 3200, 1, 100>}, {pipeline_mode = #tpu.pipeline_mode<synchronous>, transform_indices = @transform_4, window_bounds = array<i64: 3200, 1, 100>}, {pipeline_mode = #tpu.pipeline_mode<synchronous>, transform_indices = @transform_5, window_bounds = array<i64: 3200, 1, 100>}, {transform_indices = @transform_6, window_bounds = array<i64: 10000, 128>}, {pipeline_mode = #tpu.pipeline_mode<synchronous>, transform_indices = @transform_7, window_bounds = array<i64: 3200, 2, 100>}]} {
    %broadcast_in_dim3A = arith.constant 0.000000e+00 : f32
    %broadcast_in_dim3A_0 = vector.broadcast %broadcast_in_dim3A : f32 to vector<128x128xf32>
    %get3A = arith.index_cast %arg0 : i32 to index
    %get3A_1 = arith.constant 0 : index
    %get3A_2 = memref.load %arg1[%get3A, %get3A_1] : memref<8x4xf32, #tpu.memory_space<smem>>
    %get3A_3 = arith.constant 0 : index
    %get3A_4 = arith.constant 0 : index
    %get3A_5 = arith.constant 0 : index
    %get3A_6 = vector.load %arg3[%get3A_3, %get3A_4, %get3A_5] : memref<4x128x128xf32, #tpu.memory_space<vmem>>, vector<1x128x128xf32>
    %get3A_7 = vector.shape_cast %get3A_6 : vector<1x128x128xf32> to vector<128x128xf32>
    %mul3A = vector.broadcast %get3A_2 : f32 to vector<128x128xf32>
    %mul3A_8 = arith.mulf %mul3A, %get3A_7 : vector<128x128xf32>
    %add3A = arith.addf %broadcast_in_dim3A_0, %mul3A_8 : vector<128x128xf32>
    %get3A_9 = arith.index_cast %arg0 : i32 to index
    %get3A_10 = arith.constant 1 : index
    %get3A_11 = memref.load %arg1[%get3A_9, %get3A_10] : memref<8x4xf32, #tpu.memory_space<smem>>
    %get3A_12 = arith.constant 1 : index
    %get3A_13 = arith.constant 0 : index
    %get3A_14 = arith.constant 0 : index
    %get3A_15 = vector.load %arg3[%get3A_12, %get3A_13, %get3A_14] : memref<4x128x128xf32, #tpu.memory_space<vmem>>, vector<1x128x128xf32>
    %get3A_16 = vector.shape_cast %get3A_15 : vector<1x128x128xf32> to vector<128x128xf32>
    %mul3A_17 = vector.broadcast %get3A_11 : f32 to vector<128x128xf32>
    %mul3A_18 = arith.mulf %mul3A_17, %get3A_16 : vector<128x128xf32>
    %add3A_19 = arith.addf %add3A, %mul3A_18 : vector<128x128xf32>
    %get3A_20 = arith.index_cast %arg0 : i32 to index
    %get3A_21 = arith.constant 2 : index
    %get3A_22 = memref.load %arg1[%get3A_20, %get3A_21] : memref<8x4xf32, #tpu.memory_space<smem>>
    %get3A_23 = arith.constant 2 : index
    %get3A_24 = arith.constant 0 : index
    %get3A_25 = arith.constant 0 : index
    %get3A_26 = vector.load %arg3[%get3A_23, %get3A_24, %get3A_25] : memref<4x128x128xf32, #tpu.memory_space<vmem>>, vector<1x128x128xf32>
    %get3A_27 = vector.shape_cast %get3A_26 : vector<1x128x128xf32> to vector<128x128xf32>
    %mul3A_28 = vector.broadcast %get3A_22 : f32 to vector<128x128xf32>
    %mul3A_29 = arith.mulf %mul3A_28, %get3A_27 : vector<128x128xf32>
    %add3A_30 = arith.addf %add3A_19, %mul3A_29 : vector<128x128xf32>
    %get3A_31 = arith.index_cast %arg0 : i32 to index
    %get3A_32 = arith.constant 3 : index
    %get3A_33 = memref.load %arg1[%get3A_31, %get3A_32] : memref<8x4xf32, #tpu.memory_space<smem>>
    %get3A_34 = arith.constant 3 : index
    %get3A_35 = arith.constant 0 : index
    %get3A_36 = arith.constant 0 : index
    %get3A_37 = vector.load %arg3[%get3A_34, %get3A_35, %get3A_36] : memref<4x128x128xf32, #tpu.memory_space<vmem>>, vector<1x128x128xf32>
    %get3A_38 = vector.shape_cast %get3A_37 : vector<1x128x128xf32> to vector<128x128xf32>
    %mul3A_39 = vector.broadcast %get3A_33 : f32 to vector<128x128xf32>
    %mul3A_40 = arith.mulf %mul3A_39, %get3A_38 : vector<128x128xf32>
    %add3A_41 = arith.addf %add3A_30, %mul3A_40 : vector<128x128xf32>
    %get3A_42 = arith.constant 0 : index
    %get3A_43 = arith.constant 0 : index
    %get3A_44 = vector.load %arg2[%get3A_42, %get3A_43] : memref<10000x128xf32, #tpu.memory_space<vmem>>, vector<10000x128xf32>
    %dot_general3A = arith.constant dense<0.000000e+00> : vector<10000x128xf32>
    %dot_general3A_45 = tpu.matmul %get3A_44, %add3A_41, %dot_general3A {dimension_numbers = #tpu.dot_dimension_numbers<[1], [0], [0], [1], [0, 0, 1, 1], [], []>, transpose_lhs_hint = false} : vector<10000x128xf32>, vector<128x128xf32>, vector<10000x128xf32> -> vector<10000x128xf32>
    %swap3A = arith.constant 0 : index
    %swap3A_46 = arith.constant 0 : index
    %swap3A_47 = vector.load %arg7[%swap3A, %swap3A_46] : memref<10000x128xf32, #tpu.memory_space<vmem>>, vector<10000x128xf32>
    tpu.vector_store %arg7[%swap3A, %swap3A_46], %dot_general3A_45 {strides = array<i32>} : memref<10000x128xf32, #tpu.memory_space<vmem>>, vector<10000x128xf32>,
    %eq3A = arith.constant 0 : i32
    %eq3A_48 = arith.cmpi eq, %arg0, %eq3A : i32
    %convert_element_type3A = arith.extui %eq3A_48 : i1 to i32
    %cond3A = arith.constant 0 : i32
    %cond3A_49 = arith.cmpi ne, %convert_element_type3A, %cond3A : i32
    scf.if %cond3A_49 {
      %get3A_50 = arith.constant 0 : index
      %get3A_51 = arith.constant 0 : index
      %get3A_52 = arith.constant 0 : index
      %get3A_53 = vector.load %arg5[%get3A_50, %get3A_51, %get3A_52] : memref<3200x1x100xi32, #tpu.memory_space<vmem>>, vector<3200x1x100xi32>
      %get3A_54 = vector.shape_cast %get3A_53 : vector<3200x1x100xi32> to vector<3200x100xi32>
      %mul3A_55 = arith.constant 10000 : i32
      %mul3A_56 = vector.broadcast %mul3A_55 : i32 to vector<3200x100xi32>
      %mul3A_57 = arith.muli %get3A_54, %mul3A_56 : vector<3200x100xi32>
      %get3A_58 = arith.constant 0 : index
      %get3A_59 = arith.constant 0 : index
      %get3A_60 = arith.constant 0 : index
      %get3A_61 = vector.load %arg4[%get3A_58, %get3A_59, %get3A_60] : memref<3200x1x100xi32, #tpu.memory_space<vmem>>, vector<3200x1x100xi32>
      %get3A_62 = vector.shape_cast %get3A_61 : vector<3200x1x100xi32> to vector<3200x100xi32>
      %add3A_63 = arith.addi %mul3A_57, %get3A_62 : vector<3200x100xi32>
      %swap3A_64 = arith.constant 0 : index
      %swap3A_65 = arith.constant 0 : index
      %swap3A_66 = arith.constant 0 : index
      %swap3A_67 = vector.load %arg8[%swap3A_64, %swap3A_65, %swap3A_66] : memref<3200x2x100xi32, #tpu.memory_space<vmem>>, vector<3200x1x100xi32>
      %swap3A_68 = vector.shape_cast %swap3A_67 : vector<3200x1x100xi32> to vector<3200x100xi32>
      %swap3A_69 = vector.shape_cast %add3A_63 : vector<3200x100xi32> to vector<3200x1x100xi32>
      tpu.vector_store %arg8[%swap3A_64, %swap3A_65, %swap3A_66], %swap3A_69 {strides = array<i32>} : memref<3200x2x100xi32, #tpu.memory_space<vmem>>, vector<3200x1x100xi32>,
      %get3A_70 = arith.constant 0 : index
      %get3A_71 = arith.constant 0 : index
      %get3A_72 = arith.constant 0 : index
      %get3A_73 = vector.load %arg6[%get3A_70, %get3A_71, %get3A_72] : memref<3200x1x100xi32, #tpu.memory_space<vmem>>, vector<3200x1x100xi32>
      %get3A_74 = vector.shape_cast %get3A_73 : vector<3200x1x100xi32> to vector<3200x100xi32>
      %swap3A_75 = arith.constant 0 : index
      %swap3A_76 = arith.constant 1 : index
      %swap3A_77 = arith.constant 0 : index
      %swap3A_78 = vector.load %arg8[%swap3A_75, %swap3A_76, %swap3A_77] : memref<3200x2x100xi32, #tpu.memory_space<vmem>>, vector<3200x1x100xi32>
      %swap3A_79 = vector.shape_cast %swap3A_78 : vector<3200x1x100xi32> to vector<3200x100xi32>
      %swap3A_80 = vector.shape_cast %get3A_74 : vector<3200x100xi32> to vector<3200x1x100xi32>
      tpu.vector_store %arg8[%swap3A_75, %swap3A_76, %swap3A_77], %swap3A_80 {strides = array<i32>} : memref<3200x2x100xi32, #tpu.memory_space<vmem>>, vector<3200x1x100xi32>,
    } else {
    }
    return
  }
  func.func @transform_0(%arg0: i32) -> (i32, i32) {
    %c0_i32 = arith.constant 0 : i32
    %c0_i32_0 = arith.constant 0 : i32
    %c0_i32_1 = arith.constant 0 : i32
    return %c0_i32, %c0_i32_0 : i32, i32
  }
  func.func @transform_1(%arg0: i32) -> (i32, i32) {
    %c0_i32 = arith.constant 0 : i32
    %c0_i32_0 = arith.constant 0 : i32
    %c0_i32_1 = arith.constant 0 : i32
    return %c0_i32, %c0_i32_0 : i32, i32
  }
  func.func @transform_2(%arg0: i32) -> (i32, i32, i32) {
    %c0_i32 = arith.constant 0 : i32
    %c0_i32_0 = arith.constant 0 : i32
    %c0_i32_1 = arith.constant 0 : i32
    %c0_i32_2 = arith.constant 0 : i32
    return %c0_i32, %c0_i32_0, %c0_i32_1 : i32, i32, i32
  }
  func.func @transform_3(%arg0: i32) -> (i32, i32, i32) {
    %c0_i32 = arith.constant 0 : i32
    %c0_i32_0 = arith.constant 0 : i32
    %c0_i32_1 = arith.constant 0 : i32
    %c0_i32_2 = arith.constant 0 : i32
    return %c0_i32, %c0_i32_0, %c0_i32_1 : i32, i32, i32
  }
  func.func @transform_4(%arg0: i32) -> (i32, i32, i32) {
    %c0_i32 = arith.constant 0 : i32
    %c0_i32_0 = arith.constant 0 : i32
    %c0_i32_1 = arith.constant 0 : i32
    %c0_i32_2 = arith.constant 0 : i32
    return %c0_i32, %c0_i32_0, %c0_i32_1 : i32, i32, i32
  }
  func.func @transform_5(%arg0: i32) -> (i32, i32, i32) {
    %c0_i32 = arith.constant 0 : i32
    %c0_i32_0 = arith.constant 0 : i32
    %c0_i32_1 = arith.constant 0 : i32
    %c0_i32_2 = arith.constant 0 : i32
    return %c0_i32, %c0_i32_0, %c0_i32_1 : i32, i32, i32
  }
  func.func @transform_6(%arg0: i32) -> (i32, i32) {
    %c0_i32 = arith.constant 0 : i32
    %c0_i32_0 = arith.constant 0 : i32
    return %arg0, %c0_i32 : i32, i32
  }
  func.func @transform_7(%arg0: i32) -> (i32, i32, i32) {
    %c0_i32 = arith.constant 0 : i32
    %c0_i32_0 = arith.constant 0 : i32
    %c0_i32_1 = arith.constant 0 : i32
    %c0_i32_2 = arith.constant 0 : i32
    return %c0_i32, %c0_i32_0, %c0_i32_1 : i32, i32, i32
  }
}

module attributes {stable_mosaic.version = 14 : i64} {
  func.func @_tc_finish_body(%arg0: memref<2x10000x128xf32, #tpu.memory_space<vmem>>, %arg1: memref<32x10000xf32, #tpu.memory_space<vmem>>, %arg2: memref<1x128xf32, #tpu.memory_space<vmem>>, %arg3: memref<10000x128xf32, #tpu.memory_space<vmem>>) attributes {dimension_semantics = [], scalar_prefetch = 0 : i64, scratch_operands = 0 : i64, tpu.core_type = #tpu.core_type<tc>} {
    %get3A = arith.constant 0 : index
    %get3A_0 = arith.constant 0 : index
    %get3A_1 = arith.constant 0 : index
    %get3A_2 = vector.load %arg0[%get3A, %get3A_0, %get3A_1] : memref<2x10000x128xf32, #tpu.memory_space<vmem>>, vector<1x10000x128xf32>
    %get3A_3 = vector.shape_cast %get3A_2 : vector<1x10000x128xf32> to vector<10000x128xf32>
    %get3A_4 = arith.constant 1 : index
    %get3A_5 = arith.constant 0 : index
    %get3A_6 = arith.constant 0 : index
    %get3A_7 = vector.load %arg0[%get3A_4, %get3A_5, %get3A_6] : memref<2x10000x128xf32, #tpu.memory_space<vmem>>, vector<1x10000x128xf32>
    %get3A_8 = vector.shape_cast %get3A_7 : vector<1x10000x128xf32> to vector<10000x128xf32>
    %add3A = arith.addf %get3A_3, %get3A_8 : vector<10000x128xf32>
    %get3A_9 = arith.constant 0 : index
    %get3A_10 = arith.constant 0 : index
    %get3A_11 = vector.load %arg1[%get3A_9, %get3A_10] : memref<32x10000xf32, #tpu.memory_space<vmem>>, vector<32x10000xf32>
    %reduce_sum3A = arith.constant dense<0.000000e+00> : vector<10000xf32>
    %reduce_sum3A_12 = vector.multi_reduction <add>, %get3A_11, %reduce_sum3A [0] : vector<32x10000xf32> to vector<10000xf32>
    %broadcast_in_dim3A = vector.shape_cast %reduce_sum3A_12 : vector<10000xf32> to vector<10000x1xf32>
    %jit3A = arith.constant 1.000000e+00 : f32
    %max3A = vector.broadcast %jit3A : f32 to vector<10000x1xf32>
    %max3A_13 = arith.maximumf %max3A, %broadcast_in_dim3A : vector<10000x1xf32>
    %div3A = arith.constant 1.000000e+00 : f32
    %div3A_14 = vector.broadcast %div3A : f32 to vector<10000x1xf32>
    %div3A_15 = arith.divf %div3A_14, %max3A_13 : vector<10000x1xf32>
    %mul3A = vector.broadcast %div3A_15 : vector<10000x1xf32> to vector<10000x128xf32>
    %mul3A_16 = arith.mulf %add3A, %mul3A : vector<10000x128xf32>
    %get3A_17 = arith.constant 0 : index
    %get3A_18 = arith.constant 0 : index
    %get3A_19 = vector.load %arg2[%get3A_17, %get3A_18] : memref<1x128xf32, #tpu.memory_space<vmem>>, vector<1x128xf32>
    %add3A_20 = vector.broadcast %get3A_19 : vector<1x128xf32> to vector<10000x128xf32>
    %add3A_21 = arith.addf %mul3A_16, %add3A_20 : vector<10000x128xf32>
    %max3A_22 = arith.constant 0.000000e+00 : f32
    %max3A_23 = vector.broadcast %max3A_22 : f32 to vector<10000x128xf32>
    %max3A_24 = arith.maximumf %add3A_21, %max3A_23 : vector<10000x128xf32>
    %swap3A = arith.constant 0 : index
    %swap3A_25 = arith.constant 0 : index
    %swap3A_26 = vector.load %arg3[%swap3A, %swap3A_25] : memref<10000x128xf32, #tpu.memory_space<vmem>>, vector<10000x128xf32>
    tpu.vector_store %arg3[%swap3A, %swap3A_25], %max3A_24 {strides = array<i32>} : memref<10000x128xf32, #tpu.memory_space<vmem>>, vector<10000x128xf32>,
    return
  }
}

</mosaic_0001>

<sc_bundles>
// kernel: kernel.5.cloned.1.call-start
scs
__scs_entry_jumppad:
0x0: {  	(pc) =	sbr.rel $0x88, $3  }
0x1: {  	(tag) =	ssettag $0x0;
	lr =	simm.s32 $0x1  }
0x2: {  	[smem:$0x3F9B] =	sst lr;
	_ =	strace $0xD0000000  }
0x3: {  	_ = 	snop  }
0x4: {  	_ = 	snop  }
0x5: {  	_ = 	snop  }
0x6: {  	_ = 	snop  }
0x7: {  	_ = 	snop  }
__scs_overlays_trampoline_lowered:
0x8: {  	[smem:$0x3FAA] =	sst s0  }
0x9: {  	[smem:$0x3FAB] =	sst s1  }
0xa: {  	[smem:$0x3FAC] =	sst s2  }
0xb: {  	[smem:$0x3FAD] =	sst s3  }
0xc: {  	[smem:$0x3FAE] =	sst s4  }
0xd: {  	[smem:$0x3FAF] =	sst s5  }
0xe: {  	[smem:$0x3FB0] =	sst s6  }
0xf: {  	[smem:$0x3FB1] =	sst s7  }
0x10: {  	[smem:$0x3FB2] =	sst s8  }
0x11: {  	[smem:$0x3FB3] =	sst s9;
	s0 =	simm.s32 @!p0 $0x0  }
0x12: {  	s1 =	sld [smem:$0x3F99];
	s0 =	simm.s32 @p0 $0x1  }
0x13: {  	[smem:$0x3FB4] =	sst s0;
	s0 =	simm.s32 @!p1 $0x0  }
0x14: {  	s2 =	sld [smem:$0x3F98];
	s0 =	simm.s32 @p1 $0x1  }
0x15: {  	[smem:$0x3FB5] =	sst s0;
	s0 =	simm.s32 @!p2 $0x0  }
0x16: {  	s3 =	sld [smem:$0x3FDB];
	s0 =	simm.s32 @p2 $0x1  }
0x17: {  	s4 =	simm.s32 $0x1BF5;
	[smem:$0x3FB7] =	sst s0  }
0x18: {  	s0 =	sld [smem:$0x3F9A];
	_ =	swait.ge [sflag:s4], $0x0  }
0x19: {  	s7 =	sld [smem:$0x3F9B]  }
0x1a: {  	s8 =	sadd.s32 $0xFFFFE003, lr  }
0x1b: {  	s9 =	sadd.s32 $0xFFFFFEF7, lr;
	s5 =	simm.s32 $0xFFFFFFFF;
	p2 =	slt.u32 s8, $0xFFFFF086  }
0x1c: {  	p1 =	slt.u32 s9, $0xF7A;
	s5 =	simm.s32 @!p2 $0x0  }
0x1d: {  	s5 =	simm.s32 @p1 $0x1;
	p0 =	seq.s32 s7, s2  }
0x1e: {  	s7 =	smul.u32 @!p0 $0xF7A, s2;
	p2 =	seq.s32 @!p0 s5, $0x0  }
0x1f: {  	s9 =	smul.u32 $0xF7A, s1;
	s8 =	simm.s32 @!p0 $0x1BF5;
	p2 =	por !p2, p0  }
0x20: {  	[sflag:s8] =	ssyncset.s32 @!p0 $0xFFFFF086;
	s6 =	sadd.s32 @!p0 s3, s7;
	s7 =	simm.s32 @!p0 $0x108  }
0x21: {  	s3 =	sadd.s32 s3, s9;
	s6 =	sadd.s32 @!p0 $0x88, s6;
	s7 =	simm.s32 @p2 $0x1082  }
0x22: {  	[simem:s7], [sflag:s8] =	dma.local @!p0 [hbm:s6], $0xF7A  }
0x23: {  	s9 =	sor.u32 $0xD0000000, s2;
	s6 =	simm.s32 $0x108;
	_ =	swait.ge @!p0 [sflag:s8], $0x0  }
0x24: {  	s3 =	sadd.s32 $0x88, s3;
	s6 =	simm.s32 @!p1 $0x1082;
	[sflag:s4] =	ssyncset.s32 $0xFFFFF086  }
0x25: {  	[simem:s6], [sflag:s4] =	dma.local [hbm:s3], $0xF7A  }
0x26: {  	[smem:$0x3F9B] =	sst s1;
	(tag) =	ssettag s2;
	_ =	strace s9  }
0x27: {  	s1 =	sld [smem:$0x3FAB]  }
0x28: {  	s2 =	sld [smem:$0x3FAC]  }
0x29: {  	s4 =	sld [smem:$0x3FAE]  }
0x2a: {  	p0 =	seq.s32 s5, $0x0;
	s5 =	sld [smem:$0x3FAF]  }
0x2b: {  	s6 =	sld [smem:$0x3FB0]  }
0x2c: {  	s7 =	sld [smem:$0x3FB1]  }
0x2d: {  	s3 =	simm.s32 $0x108;
	s8 =	sld [smem:$0x3FB2]  }
0x2e: {  	s3 =	simm.s32 @!p0 $0x1082;
	s9 =	sld [smem:$0x3FB3]  }
0x2f: {  	lr =	sadd.s32 s0, s3;
	s0 =	sld [smem:$0x3FAA]  }
0x30: {  	s3 =	sld [smem:$0x3FAD]  }
0x31: {  	[smem:$0x3FB6] =	sst s10  }
0x32: {  	s10 =	sld [smem:$0x3FB4];
	_ =	sdelay $0x3  }
0x33: {  	p0 =	seq.s32 s10, $0x1;
	s10 =	sld [smem:$0x3FB6];
	_ =	sdelay $0x3  }
0x34: {  	[smem:$0x3FB6] =	sst s10  }
0x35: {  	s10 =	sld [smem:$0x3FB5];
	_ =	sdelay $0x3  }
0x36: {  	p1 =	seq.s32 s10, $0x1;
	s10 =	sld [smem:$0x3FB6];
	_ =	sdelay $0x3  }
0x37: {  	[smem:$0x3FB6] =	sst s10  }
0x38: {  	s10 =	sld [smem:$0x3FB7]  }
0x39: {  	_ = 	snop;
	(pc) =	sbr.ind lr, $3  }
0x3a: {  	_ = 	snop  }
0x3b: {  	_ = 	snop  }
0x3c: {  	p2 =	seq.s32 s10, $0x1;
	s10 =	sld [smem:$0x3FB6]  }
0x3d: {  	_ =	shalt  }
0x3e: {  	_ =	shalt  }
0x3f: {  	_ =	shalt  }
0x40: {  	_ =	shalt  }
0x41: {  	_ =	shalt  }
0x42: {  	_ =	shalt  }
0x43: {  	_ =	shalt  }
0x44: {  	_ =	shalt  }
0x45: {  	_ =	shalt  }
0x46: {  	_ =	shalt  }
0x47: {  	_ =	shalt  }
0x48: {  	_ =	shalt  }
0x49: {  	_ =	shalt  }
0x4a: {  	_ =	shalt  }
0x4b: {  	_ =	shalt  }
0x4c: {  	_ =	shalt  }
0x4d: {  	_ =	shalt  }
0x4e: {  	_ =	shalt  }
0x4f: {  	_ =	shalt  }
0x50: {  	_ =	shalt  }
0x51: {  	_ =	shalt  }
0x52: {  	_ =	shalt  }
0x53: {  	_ =	shalt  }
0x54: {  	_ =	shalt  }
0x55: {  	_ =	shalt  }
0x56: {  	_ =	shalt  }
0x57: {  	_ =	shalt  }
0x58: {  	_ =	shalt  }
0x59: {  	_ =	shalt  }
0x5a: {  	_ =	shalt  }
0x5b: {  	_ =	shalt  }
0x5c: {  	_ =	shalt  }
0x5d: {  	_ =	shalt  }
0x5e: {  	_ =	shalt  }
0x5f: {  	_ =	shalt  }
0x60: {  	_ =	shalt  }
0x61: {  	_ =	shalt  }
0x62: {  	_ =	shalt  }
0x63: {  	_ =	shalt  }
0x64: {  	_ =	shalt  }
0x65: {  	_ =	shalt  }
0x66: {  	_ =	shalt  }
0x67: {  	_ =	shalt  }
0x68: {  	_ =	shalt  }
0x69: {  	_ =	shalt  }
0x6a: {  	_ =	shalt  }
0x6b: {  	_ =	shalt  }
0x6c: {  	_ =	shalt  }
0x6d: {  	_ =	shalt  }
0x6e: {  	_ =	shalt  }
0x6f: {  	_ =	shalt  }
0x70: {  	_ =	shalt  }
0x71: {  	_ =	shalt  }
0x72: {  	_ =	shalt  }
0x73: {  	_ =	shalt  }
0x74: {  	_ =	shalt  }
0x75: {  	_ =	shalt  }
0x76: {  	_ =	shalt  }
0x77: {  	_ =	shalt  }
0x78: {  	_ =	shalt  }
0x79: {  	_ =	shalt  }
0x7a: {  	_ =	shalt  }
0x7b: {  	_ =	shalt  }
0x7c: {  	_ =	shalt  }
0x7d: {  	_ =	shalt  }
0x7e: {  	_ =	shalt  }
0x7f: {  	_ =	shalt  }
0x80: {  	_ =	shalt  }
0x81: {  	_ =	shalt  }
0x82: {  	_ =	shalt  }
0x83: {  	_ =	shalt  }
0x84: {  	_ =	shalt  }
0x85: {  	_ =	shalt  }
0x86: {  	_ =	shalt  }
0x87: {  	_ =	shalt  }
.Lfunc_end0:
.L_simem_size_0:
called_computation_lowered:
.L_overlay_start_0:
0x88: {  	s2 =	sld [smem:$0x3FD9]  }
0x89: {  	s3 =	sld [smem:$0x3FFE];
	_ =	sdelay $0x1  }
0x8a: {  	s1 =	srdreg.scid  }
0x8b: {  	s0 =	sand.u32 $0x1, s1  }
0x8c: {  	s17 =	sshll.u32 s0, $0xA;
	s2 =	sadd.s32 s3, s2  }
0x8d: {  	s2 =	sadd.s32 s2, s17  }
0x8e: {  	[smem:$0x3FC2] =	sst s2  }
0x8f: {  	_ = 	snop  }
0x90: {  	s2 =	sld [smem:$0x3FD0];
	(tm) =	ssettm $0x1  }
0x91: {  	s18 =	sld [smem:$0x3FFB];
	_ =	sdelay $0x3  }
0x92: {  	_ =	strace s18  }
0x93: {  	s3 =	sld [smem:$0x3FFC];
	_ =	sdelay $0x3  }
0x94: {  	_ =	strace s3  }
0x95: {  	s3 =	sld [smem:$0x3FFD];
	_ =	sdelay $0x3  }
0x96: {  	_ =	strace s3  }
0x97: {  	_ =	strace $0x8FFFFFFF  }
0x98: {  	s19 =	sld [smem:$0x3FDB];
	_ =	sdelay $0x1  }
0x99: {  	s4 =	simm.s32 $_scs_section_size  }
0x9a: {  	s5 =	simm.s32 $_size__tile_overlayer_lowered;
	s6 =	simm.s32 $_tile_overlayer_lowered  }
0x9b: {  	s22 =	simm.s32 $0x1BFF;
	s21 =	sshll.u32 s6, $0x1;
	s3 =	sadd.s32 s4, s19  }
0x9c: {  	s7 =	simm.s32 $0x0;
	s20 =	sshll.u32 s5, $0x1;
	s5 =	sadd.s32 s21, s3  }
0x9d: {  	[timem:s7], [sflag:s22] =	dma.local [hbm:s5], s20  }
0x9e: {  	_ =	swait.ge [sflag:s22], s20  }
0x9f: {  	s4 =	ssub.s32 $0x0, s20;
	[sflag:s22] =	ssyncset.done $0x0  }
0xa0: {  	[sflag:s22] =	ssyncadd.s32 s4;
	_ =	sdelay $0x1  }
0xa1: {  	s23 =	simm.s32 $0x1B8B  }
0xa2: {  	_ =	swait.ge [sflag:s23], $0x1  }
0xa3: {  	[sflag:s23] =	ssyncset.done $0x0  }
0xa4: {  	s25 =	simm.s32 $0x1B8E;
	s24 =	sld [smem:$0x3FFE];
	[sflag:s23] =	ssyncadd.s32 $0xFFFFFFFF  }
0xa5: {  	s26 =	simm.s32 $execute0_lowered;
	[smem:$0x3FD2] =	sst s25  }
0xa6: {  	s5 =	sshll.u32 s26, $0x1;
	_ =	strace $0x80000046;
	[dreg:$0x1] =	wrdreg $0xFFFFFFFF  }
0xa7: {  	s28 =	simm.s32 $_size_execute0_lowered;
	s3 =	sadd.s32 s3, s5;
	[dreg:$0x0] =	wrdreg $0x0  }
0xa8: {  	s5 =	sshll.u32 s28, $0x1;
	[dreg:$0x2] =	wrdreg s3  }
0xa9: {  	[dreg:$0x3] =	wrdreg s5  }
0xaa: {  	[dreg:$0x4] =	wrdreg $0xC0  }
0xab: {  	_ =	task [dreg:s7], $0x5FFFF  }
0xac: {  	[dreg:$0x1] =	wrdreg $0xFFFFFFFF  }
0xad: {  	[dreg:$0x0] =	wrdreg $0x60  }
0xae: {  	[dreg:$0x2] =	wrdreg s24  }
0xaf: {  	[dreg:$0x3] =	wrdreg s2  }
0xb0: {  	[dreg:$0x4] =	wrdreg $0xAB800  }
0xb1: {  	[dreg:$0x5] =	wrdreg $0x9  }
0xb2: {  	_ =	task.clear_ibuf [dreg:s7], $0x6FFFF;
	_ =	strace $0x90000046  }
0xb3: {  	s29 =	simm.s32 $0x9;
	_ =	strace $0x80000048  }
0xb4: {  	_ =	swait.ge [sflag:s29], $0x1  }
0xb5: {  	[sflag:s29] =	ssyncadd.s32 $0xFFFFFFFF  }
0xb6: {  	_ =	strace $0x90000048  }
0xb7: {  	_ =	sfence  }
0xb8: {  	s30 =	sld [smem:$0x0];
	_ =	sdelay $0x2  }
0xb9: {  	s31 =	sshll.u32 s1, $0xD;
	s1 =	sshrl.u32 s1, $0x2  }
0xba: {  	s3 =	sand.u32 $0x4000, s31;
	s1 =	sadd.s32 s1, s30  }
0xbb: {  	s0 =	sor.u32 s3, s0;
	s1 =	sshll.u32 s1, $0x11  }
0xbc: {  	s0 =	sor.u32 s1, s0  }
0xbd: {  	s0 =	sadd.s32 $0x8F2B, s0  }
0xbe: {  	[sflag:s0] =	ssyncadd.remote.s32 $0x1  }
0xbf: {  	_ =	sfence.sel $0xFFFF  }
0xc0: {  	[dreg:$0x0] =	wrdreg $0xFFFFFFFF;
	(pc) =	sbr.abs _section_cstart, $3  }
0xc1: {  	[dreg:$0x1] =	wrdreg $0xFFFFFFFF  }
0xc2: {  	_ =	task.clear_ibuf [dreg:s7], $0x2FFFF;
	_ =	strace $0x9FFFFFFF  }
0xc3: {  	(tm) =	ssettm $0x7FFFFFFF  }
tec
execute0_lowered:
.L_overlay_start_1:
0x0: {  	(tag) =	ssettag $0x1  }
0x1: {  	s0 =	rddreg [dreg:$0x0]  }
0x2: {  	s1 =	rddreg [dreg:$0x1]  }
0x3: {  	s3 =	rddreg [dreg:$0x2];
	s2 =	srdreg.scid  }
0x4: {  	s4 =	simm.s32 $0x0;
	s13 =	stileid.u32;
	s28 =	simm.s32 $0x5  }
0x5: {  	s29 =	simm.s32 $0x64;
	s30 =	simm.s32 $0x400;
	s31 =	simm.s32 $0x200  }
0x6: {  	s2 =	sand.u32 $0x1, s2;
	[smem:$0x7FF] =	sst s4;
	s5 =	sshrl.u32 s13, $0x3  }
0x7: {  	s8 =	sshll.u32 s13, $0x7;
	s12 =	sadd.s32 $0x139E00, s0;
	s11 =	smul.u32 $0x4E000, s13  }
0x8: {  	p0 =	sne.s32 s13, $0xF;
	s6 =	smul.u32 $0x27800, s2;
	_ =	strace $0x80000047  }
0x9: {  	s7 =	smul.u32 $0x13C00, s5;
	s5 =	sadd.s32 $0x1600, s0;
	s9 =	sshll.u32 s2, $0x4  }
0xa: {  	s18 =	sand.u32 $0x380, s8;
	s20 =	ssub.s32 $0x2, s2;
	s10 =	smul.u32 $0x138800, s2  }
0xb: {  	s26 =	smul.u32 $0x64000, s2;
	s19 =	sor.u32 s13, s9;
	s21 =	sshrl.u32 s20, $0x1  }
0xc: {  	s25 =	sshrl.u32 s11, $0x2;
	s9 =	smul.u32 $0x6400, s13;
	s6 =	sadd.s32 s6, s7  }
0xd: {  	s8 =	smul.u32 $0x6400, s19;
	s7 =	ssub.s32 s20, s21;
	s22 =	sshrl.u32 s10, $0x3  }
0xe: {  	s11 =	sadd.s32 s25, s3;
	s6 =	sor.u32 s18, s6;
	s7 =	smax.u32 s7, $0x1  }
0xf: {  	s23 =	sadd.s32 s12, s22;
	s14 =	sadd.s32 $0x4800, s11;
	[dreg:$0x8] =	wrdreg s7  }
0x10: {  	s22 =	sadd.s32 $0x1800, s11;
	s15 =	sadd.s32 $0x6000, s11;
	[dreg:$0xa] =	wrdreg s14  }
0x11: {  	s16 =	sadd.s32 $0x7800, s11;
	s17 =	sadd.s32 $0x9000, s11;
	[dreg:$0xb] =	wrdreg s15  }
0x12: {  	s18 =	smul.u32 $0x13800, s13;
	s19 =	sadd.s32 $0xA800, s11;
	[dreg:$0xc] =	wrdreg s16  }
0x13: {  	s20 =	sadd.s32 $0xC000, s11;
	s25 =	sadd.s32 $0x10800, s11;
	[dreg:$0xd] =	wrdreg s17  }
0x14: {  	s13 =	simm.s32 $0x180;
	s6 =	sshrl.u32 s6, $0x3;
	[dreg:$0xe] =	wrdreg s19  }
0x15: {  	s8 =	sshrl.u32 s8, $0x3;
	s24 =	sadd.s32 $0x27000, s23;
	[dreg:$0xf] =	wrdreg s20  }
0x16: {  	s23 =	sadd.s32 $0xD800, s11;
	[dreg:$0x12] =	wrdreg s25;
	s14 =	simm.s32 $0x3  }
0x17: {  	s15 =	simm.s32 $0x4;
	s16 =	simm.s32 $0x300;
	s17 =	simm.s32 $0x280  }
0x18: {  	s19 =	simm.s32 $0x0;
	s0 =	sadd.s32 s6, s0;
	[dreg:$0x7] =	wrdreg s24  }
0x19: {  	s6 =	sadd.s32 $0x138000, s3;
	s8 =	sadd.s32 s1, s8;
	[dreg:$0x10] =	wrdreg s23  }
0x1a: {  	s2 =	sadd.s32 s18, s10;
	s24 =	sadd.s32 $0xF000, s11;
	[dreg:$0x5] =	wrdreg s8  }
0x1b: {  	s10 =	simm.s32 $0x2;
	s0 =	sadd.s32 $0x188000, s0;
	[dreg:$0x11] =	wrdreg s24  }
0x1c: {  	s18 =	simm.s32 $0x380;
	s8 =	sadd.s32 $0x3000, s11;
	[dreg:$0x6] =	wrdreg s0  }
0x1d: {  	s2 =	sshrl.u32 s2, $0x3;
	[dreg:$0x9] =	wrdreg s8;
	s0 =	sadd.s32 s9, s26  }
0x1e: {  	s23 =	sadd.s32 s2, s12;
	s26 =	sadd.s32 $0x12000, s11;
	s2 =	simm.s32 $0x3800  }
0x1f: {  	s8 =	simm.s32 $0x80;
	s9 =	simm.s32 $0x8400;
	s21 =	sor.u32 $0x200, s0  }
0x20: {  	[dreg:$0x13] =	wrdreg s26;
	s0 =	sadd.s32 $0x400, s0;
	s7 =	sshrl.u32 s21, $0x3  }
0x21: {  	s26 =	simm.s32 $0x6C00;
	[dreg:$0x14] =	wrdreg s0;
	s7 =	sadd.s32 s7, s1  }
0x22: {  	v0 =	vimm.f32 $0.0e+00;
	v1 =	vimm.f32 $1.000000000e+00;
	vm0 =	vcmask $0x3F30;
	s0 =	simm.s32 $0x100;
	[dreg:$0x4] =	wrdreg s7;
	s7 =	simm.s32 $0x1  }
.LBB2_1:
0x23: {  	s12 =	simm.s32 $0x0;
	s20 =	simm.s32 $0x0  }
.LBB2_2:
0x24: {  	p1 =	sne.s32 s20, $0x5FC0  }
.Ltmp0:
0x25: {  	_ = 	snop;
	(pc) =	sbr.rel @p1 .LBB2_2-.Ltmp0, $4  }
0x26: {  	s25 =	sand.u32 $0x7E00, s20  }
0x27: {  	s24 =	sand.u32 $0x70, s12;
	s25 =	sshrl.u32 s25, $0x2  }
0x28: {  	s24 =	sor.u32 s24, s25  }
0x29: {  	s12 =	sadd.s32 $0x10, s12;
	s20 =	sadd.s32 $0x40, s20;
	[tilespmem:s24+$0x6C00] =	vst v0  }
0x2a: {  	s12 =	simm.s32 $0x40;
	s20 =	simm.s32 $0x0  }
.LBB2_4:
0x2b: {  	p1 =	sne.s32 s12, $0x9C00;
	[tilespmem:s20+$0x8400] =	vst v0;
	s20 =	smov.u32 s12;
	s12 =	sadd.s32 $0x40, s12  }
.Ltmp1:
0x2c: {  	(pc) =	sbr.rel @p1 .LBB2_4-.Ltmp1, $2  }
0x2d: {  	_ =	sdelay $0x2  }
0x2e: {  	s20 =	sshra.s32 s20, $0x2  }
0x2f: {  	[tilespmem:s20+$0x8400] =	vst v0  }
0x30: {  	[spmem:s11] =	stream.linear.scatter [tilespmem:s26], [sflag:$0x5], $0x1800, $0x38;
	[tilespmem:$0x1E400] =	vst v63  }
0x31: {  	_ =	swait.ge [sflag:s28], $0x1800  }
0x32: {  	[sflag:s28] =	ssyncset.done $0x0  }
0x33: {  	[sflag:s28] =	ssyncadd.s32 $0xFFFFE800  }
0x34: {  	[spmem:s22] =	stream.linear.scatter [tilespmem:s26], [sflag:$0x5], $0x1800, $0x38;
	[tilespmem:$0x1E400] =	vst v63  }
0x35: {  	_ =	swait.ge [sflag:s28], $0x1800  }
0x36: {  	[sflag:s28] =	ssyncset.done $0x0  }
0x37: {  	s12 =	rddreg [dreg:$0x9];
	[sflag:s28] =	ssyncadd.s32 $0xFFFFE800  }
0x38: {  	[spmem:s12] =	stream.linear.scatter [tilespmem:s26], [sflag:$0x5], $0x1800, $0x38;
	[tilespmem:$0x1E400] =	vst v63  }
0x39: {  	_ =	swait.ge [sflag:s28], $0x1800  }
0x3a: {  	[sflag:s28] =	ssyncset.done $0x0  }
0x3b: {  	s21 =	rddreg [dreg:$0xa];
	[sflag:s28] =	ssyncadd.s32 $0xFFFFE800  }
0x3c: {  	[spmem:s21] =	stream.linear.scatter [tilespmem:s26], [sflag:$0x5], $0x1800, $0x38;
	[tilespmem:$0x1E400] =	vst v63  }
0x3d: {  	_ =	swait.ge [sflag:s28], $0x1800  }
0x3e: {  	[sflag:s28] =	ssyncset.done $0x0  }
0x3f: {  	s24 =	rddreg [dreg:$0xb];
	[sflag:s28] =	ssyncadd.s32 $0xFFFFE800  }
0x40: {  	[spmem:s24] =	stream.linear.scatter [tilespmem:s26], [sflag:$0x5], $0x1800, $0x38;
	[tilespmem:$0x1E400] =	vst v63  }
0x41: {  	_ =	swait.ge [sflag:s28], $0x1800  }
0x42: {  	[sflag:s28] =	ssyncset.done $0x0  }
0x43: {  	s25 =	rddreg [dreg:$0xc];
	[sflag:s28] =	ssyncadd.s32 $0xFFFFE800  }
0x44: {  	[spmem:s25] =	stream.linear.scatter [tilespmem:s26], [sflag:$0x5], $0x1800, $0x38;
	[tilespmem:$0x1E400] =	vst v63  }
0x45: {  	_ =	swait.ge [sflag:s28], $0x1800  }
0x46: {  	[sflag:s28] =	ssyncset.done $0x0  }
0x47: {  	s20 =	rddreg [dreg:$0xd];
	[sflag:s28] =	ssyncadd.s32 $0xFFFFE800  }
0x48: {  	[spmem:s20] =	stream.linear.scatter [tilespmem:s26], [sflag:$0x5], $0x1800, $0x38;
	[tilespmem:$0x1E400] =	vst v63  }
0x49: {  	_ =	swait.ge [sflag:s28], $0x1800  }
0x4a: {  	[sflag:s28] =	ssyncset.done $0x0  }
0x4b: {  	s21 =	rddreg [dreg:$0xe];
	[sflag:s28] =	ssyncadd.s32 $0xFFFFE800  }
0x4c: {  	[spmem:s21] =	stream.linear.scatter [tilespmem:s26], [sflag:$0x5], $0x1800, $0x38;
	[tilespmem:$0x1E400] =	vst v63  }
0x4d: {  	_ =	swait.ge [sflag:s28], $0x1800  }
0x4e: {  	[sflag:s28] =	ssyncset.done $0x0  }
0x4f: {  	s24 =	rddreg [dreg:$0xf];
	[sflag:s28] =	ssyncadd.s32 $0xFFFFE800  }
0x50: {  	[spmem:s24] =	stream.linear.scatter [tilespmem:s26], [sflag:$0x5], $0x1800, $0x38;
	[tilespmem:$0x1E400] =	vst v63  }
0x51: {  	_ =	swait.ge [sflag:s28], $0x1800  }
0x52: {  	[sflag:s28] =	ssyncset.done $0x0  }
0x53: {  	s25 =	rddreg [dreg:$0x10];
	[sflag:s28] =	ssyncadd.s32 $0xFFFFE800  }
0x54: {  	[spmem:s25] =	stream.linear.scatter [tilespmem:s26], [sflag:$0x5], $0x1800, $0x38;
	[tilespmem:$0x1E400] =	vst v63  }
0x55: {  	_ =	swait.ge [sflag:s28], $0x1800  }
0x56: {  	[sflag:s28] =	ssyncset.done $0x0  }
0x57: {  	s20 =	rddreg [dreg:$0x11];
	[sflag:s28] =	ssyncadd.s32 $0xFFFFE800  }
0x58: {  	[spmem:s20] =	stream.linear.scatter [tilespmem:s26], [sflag:$0x5], $0x1800, $0x38;
	[tilespmem:$0x1E400] =	vst v63  }
0x59: {  	_ =	swait.ge [sflag:s28], $0x1800  }
0x5a: {  	[sflag:s28] =	ssyncset.done $0x0  }
0x5b: {  	s21 =	rddreg [dreg:$0x12];
	[sflag:s28] =	ssyncadd.s32 $0xFFFFE800  }
0x5c: {  	[spmem:s21] =	stream.linear.scatter [tilespmem:s26], [sflag:$0x5], $0x1800, $0x38;
	[tilespmem:$0x1E400] =	vst v63  }
0x5d: {  	_ =	swait.ge [sflag:s28], $0x1800  }
0x5e: {  	[sflag:s28] =	ssyncset.done $0x0  }
0x5f: {  	s24 =	rddreg [dreg:$0x13];
	[sflag:s28] =	ssyncadd.s32 $0xFFFFE800  }
0x60: {  	[spmem:s24] =	stream.linear.scatter [tilespmem:s26], [sflag:$0x5], $0x1800, $0x38;
	[tilespmem:$0x1E400] =	vst v63  }
0x61: {  	_ =	swait.ge [sflag:s28], $0x1800  }
0x62: {  	[sflag:s28] =	ssyncset.done $0x0  }
0x63: {  	s12 =	simm.s32 @!p0 $0x6C00;
	[sflag:s28] =	ssyncadd.s32 $0xFFFFE800  }
0x64: {  	[spmem:s6] =	stream.linear.scatter @!p0 [tilespmem:s12], [sflag:$0x5], $0x800, $0x38;
	[tilespmem:$0x1E400] =	vst v63  }
0x65: {  	s12 =	simm.s32 @!p0 $0x5  }
0x66: {  	_ =	swait.ge @!p0 [sflag:s12], $0x800  }
0x67: {  	[sflag:s12] =	ssyncset.done @!p0 $0x0  }
0x68: {  	[sflag:s12] =	ssyncadd.s32 @!p0 $0xFFFFF800  }
0x69: {  	[bflag:$0x0] =	sbarrier.arrive $0xFFFF  }
0x6a: {  	s20 =	simm.s32 $0x0;
	s25 =	rddreg [dreg:$0x5]  }
0x6b: {  	[tilespmem:s20], [sflag:$0x5] =	stream.linear.gather [hbm4b:s25+s20], $0x200, $0x38;
	[tilespmem:$0x1E400] =	vst v63  }
0x6c: {  	_ =	swait.ge [sflag:s28], $0x200  }
0x6d: {  	[sflag:s28] =	ssyncset.done $0x0  }
0x6e: {  	s25 =	rddreg [dreg:$0x14];
	[sflag:s28] =	ssyncadd.s32 $0xFFFFFE00  }
0x6f: {  	[tilespmem:s30], [sflag:$0x1] =	stream.indirect.gather [hbm4b:s5+s29], $0x80, s20, s29, $0xb8;
	[tilespmem:$0x1E400] =	vst v63  }
.LBB2_6:
0x70: {  	s12 =	rddreg [dreg:$0x4]  }
0x71: {  	s12 =	sadd.s32 s20, s12  }
0x72: {  	[tilespmem:s31], [sflag:$0x5] =	stream.linear.gather [hbm4b:s12+s4], $0x200, $0x38;
	[tilespmem:$0x1E400] =	vst v63  }
0x73: {  	_ =	swait.ge [sflag:s28], $0x200  }
0x74: {  	[sflag:s28] =	ssyncset.done $0x0  }
0x75: {  	[sflag:s28] =	ssyncadd.s32 $0xFFFFFE00  }
0x76: {  	[tilespmem:s2], [sflag:$0x2] =	stream.indirect.gather [hbm4b:s5+s29], $0x80, s0, s29, $0xb8;
	[tilespmem:$0x1E400] =	vst v63  }
0x77: {  	_ =	swait.ge [sflag:s7], $0x3200  }
0x78: {  	[sflag:s7] =	ssyncset.done $0x0  }
0x79: {  	[sflag:s7] =	ssyncadd.s32 $0xFFFFCE00  }
0x7a: {  	[spmem:s3] =	stream.indirect.scatter.add.f32 [tilespmem:s30], [sflag:$0x3], $0x80, s8, s29, $0xb8;
	[tilespmem:$0x1E400] =	vst v63  }
0x7b: {  	v2 =	vld [tilespmem:$0x80];
	_ =	sdelay $0x7  }
0x7c: {  	[tilespmem:v2+s9+$0x0] =	vst.idx.add.f32.msk $0xffff, v1  }
0x7d: {  	v2 =	vld [tilespmem:$0x90];
	_ =	sdelay $0x7  }
0x7e: {  	[tilespmem:v2+s9+$0x0] =	vst.idx.add.f32.msk $0xffff, v1  }
0x7f: {  	v2 =	vld [tilespmem:$0xA0];
	_ =	sdelay $0x7  }
0x80: {  	[tilespmem:v2+s9+$0x0] =	vst.idx.add.f32.msk $0xffff, v1  }
0x81: {  	v2 =	vld [tilespmem:$0xB0];
	_ =	sdelay $0x7  }
0x82: {  	[tilespmem:v2+s9+$0x0] =	vst.idx.add.f32.msk $0xffff, v1  }
0x83: {  	v2 =	vld [tilespmem:$0xC0];
	_ =	sdelay $0x7  }
0x84: {  	[tilespmem:v2+s9+$0x0] =	vst.idx.add.f32.msk $0xffff, v1  }
0x85: {  	v2 =	vld [tilespmem:$0xD0];
	_ =	sdelay $0x7  }
0x86: {  	[tilespmem:v2+s9+$0x0] =	vst.idx.add.f32.msk $0xffff, v1  }
0x87: {  	v2 =	vld [tilespmem:$0xD4];
	_ =	sdelay $0x7  }
0x88: {  	[tilespmem:v2+s9+$0x0] =	vst.idx.add.f32.msk vm0, v1  }
0x89: {  	_ =	swait.ge [sflag:s10], $0x3200  }
0x8a: {  	[sflag:s10] =	ssyncset.done $0x0  }
0x8b: {  	[sflag:s10] =	ssyncadd.s32 $0xFFFFCE00  }
0x8c: {  	[spmem:s3] =	stream.indirect.scatter.add.f32 [tilespmem:s2], [sflag:$0x4], $0x80, s13, s29, $0xb8;
	[tilespmem:$0x1E400] =	vst v63  }
0x8d: {  	v2 =	vld [tilespmem:$0x180];
	_ =	sdelay $0x7  }
0x8e: {  	[tilespmem:v2+s9+$0x0] =	vst.idx.add.f32.msk $0xffff, v1  }
0x8f: {  	v2 =	vld [tilespmem:$0x190];
	_ =	sdelay $0x7  }
0x90: {  	[tilespmem:v2+s9+$0x0] =	vst.idx.add.f32.msk $0xffff, v1  }
0x91: {  	v2 =	vld [tilespmem:$0x1A0];
	_ =	sdelay $0x7  }
0x92: {  	[tilespmem:v2+s9+$0x0] =	vst.idx.add.f32.msk $0xffff, v1  }
0x93: {  	v2 =	vld [tilespmem:$0x1B0];
	_ =	sdelay $0x7  }
0x94: {  	[tilespmem:v2+s9+$0x0] =	vst.idx.add.f32.msk $0xffff, v1  }
0x95: {  	v2 =	vld [tilespmem:$0x1C0];
	_ =	sdelay $0x7  }
0x96: {  	[tilespmem:v2+s9+$0x0] =	vst.idx.add.f32.msk $0xffff, v1  }
0x97: {  	v2 =	vld [tilespmem:$0x1D0];
	_ =	sdelay $0x7  }
0x98: {  	[tilespmem:v2+s9+$0x0] =	vst.idx.add.f32.msk $0xffff, v1  }
0x99: {  	v2 =	vld [tilespmem:$0x1D4];
	_ =	sdelay $0x7  }
0x9a: {  	[tilespmem:v2+s9+$0x0] =	vst.idx.add.f32.msk vm0, v1  }
0x9b: {  	_ =	swait.ge [sflag:s14], $0x3200  }
0x9c: {  	[sflag:s14] =	ssyncset.done $0x0  }
0x9d: {  	[sflag:s14] =	ssyncadd.s32 $0xFFFFCE00  }
0x9e: {  	[tilespmem:s30], [sflag:$0x1] =	stream.indirect.gather [hbm4b:s5+s29], $0x80, s31, s29, $0xb8;
	[tilespmem:$0x1E400] =	vst v63  }
0x9f: {  	_ =	swait.ge [sflag:s15], $0x3200  }
0xa0: {  	p1 =	seq.s32 s20, $0xC00;
	[sflag:s15] =	ssyncset.done $0x0  }
0xa1: {  	s12 =	sshrl.u32 @!p1 s25, $0x3;
	[sflag:s15] =	ssyncadd.s32 $0xFFFFCE00  }
0xa2: {  	[tilespmem:s2], [sflag:$0x2] =	stream.indirect.gather [hbm4b:s5+s29], $0x80, s16, s29, $0xb8;
	[tilespmem:$0x1E400] =	vst v63  }
0xa3: {  	s24 =	simm.s32 @!p1 $0x0;
	s12 =	sadd.s32 @!p1 s1, s12  }
0xa4: {  	[tilespmem:s24], [sflag:$0x5] =	stream.linear.gather @!p1 [hbm4b:s12+s24], $0x200, $0x38;
	[tilespmem:$0x1E400] =	vst v63  }
0xa5: {  	s12 =	simm.s32 @!p1 $0x5  }
0xa6: {  	_ =	swait.ge @!p1 [sflag:s12], $0x200  }
0xa7: {  	[sflag:s12] =	ssyncset.done @!p1 $0x0  }
0xa8: {  	[sflag:s12] =	ssyncadd.s32 @!p1 $0xFFFFFE00  }
0xa9: {  	_ =	swait.ge [sflag:s7], $0x3200  }
0xaa: {  	[sflag:s7] =	ssyncset.done $0x0  }
0xab: {  	[sflag:s7] =	ssyncadd.s32 $0xFFFFCE00  }
0xac: {  	[spmem:s3] =	stream.indirect.scatter.add.f32 [tilespmem:s30], [sflag:$0x3], $0x80, s17, s29, $0xb8;
	[tilespmem:$0x1E400] =	vst v63  }
0xad: {  	v2 =	vld [tilespmem:$0x280];
	_ =	sdelay $0x7  }
0xae: {  	[tilespmem:v2+s9+$0x0] =	vst.idx.add.f32.msk $0xffff, v1  }
0xaf: {  	v2 =	vld [tilespmem:$0x290];
	_ =	sdelay $0x7  }
0xb0: {  	[tilespmem:v2+s9+$0x0] =	vst.idx.add.f32.msk $0xffff, v1  }
0xb1: {  	v2 =	vld [tilespmem:$0x2A0];
	_ =	sdelay $0x7  }
0xb2: {  	[tilespmem:v2+s9+$0x0] =	vst.idx.add.f32.msk $0xffff, v1  }
0xb3: {  	v2 =	vld [tilespmem:$0x2B0];
	_ =	sdelay $0x7  }
0xb4: {  	[tilespmem:v2+s9+$0x0] =	vst.idx.add.f32.msk $0xffff, v1  }
0xb5: {  	v2 =	vld [tilespmem:$0x2C0];
	_ =	sdelay $0x7  }
0xb6: {  	[tilespmem:v2+s9+$0x0] =	vst.idx.add.f32.msk $0xffff, v1  }
0xb7: {  	v2 =	vld [tilespmem:$0x2D0];
	_ =	sdelay $0x7  }
0xb8: {  	[tilespmem:v2+s9+$0x0] =	vst.idx.add.f32.msk $0xffff, v1  }
0xb9: {  	v2 =	vld [tilespmem:$0x2D4];
	_ =	sdelay $0x7  }
0xba: {  	[tilespmem:v2+s9+$0x0] =	vst.idx.add.f32.msk vm0, v1  }
0xbb: {  	_ =	swait.ge [sflag:s10], $0x3200  }
0xbc: {  	[sflag:s10] =	ssyncset.done $0x0  }
0xbd: {  	[sflag:s10] =	ssyncadd.s32 $0xFFFFCE00  }
0xbe: {  	[spmem:s3] =	stream.indirect.scatter.add.f32 [tilespmem:s2], [sflag:$0x4], $0x80, s18, s29, $0xb8;
	[tilespmem:$0x1E400] =	vst v63  }
0xbf: {  	v2 =	vld [tilespmem:$0x380];
	_ =	sdelay $0x7  }
0xc0: {  	[tilespmem:v2+s9+$0x0] =	vst.idx.add.f32.msk $0xffff, v1  }
0xc1: {  	v2 =	vld [tilespmem:$0x390];
	_ =	sdelay $0x7  }
0xc2: {  	[tilespmem:v2+s9+$0x0] =	vst.idx.add.f32.msk $0xffff, v1  }
0xc3: {  	v2 =	vld [tilespmem:$0x3A0];
	_ =	sdelay $0x7  }
0xc4: {  	[tilespmem:v2+s9+$0x0] =	vst.idx.add.f32.msk $0xffff, v1  }
0xc5: {  	v2 =	vld [tilespmem:$0x3B0];
	_ =	sdelay $0x7  }
0xc6: {  	[tilespmem:v2+s9+$0x0] =	vst.idx.add.f32.msk $0xffff, v1  }
0xc7: {  	v2 =	vld [tilespmem:$0x3C0];
	_ =	sdelay $0x7  }
0xc8: {  	[tilespmem:v2+s9+$0x0] =	vst.idx.add.f32.msk $0xffff, v1  }
0xc9: {  	v2 =	vld [tilespmem:$0x3D0];
	_ =	sdelay $0x7  }
0xca: {  	[tilespmem:v2+s9+$0x0] =	vst.idx.add.f32.msk $0xffff, v1  }
0xcb: {  	v2 =	vld [tilespmem:$0x3D4];
	_ =	sdelay $0x7  }
0xcc: {  	[tilespmem:v2+s9+$0x0] =	vst.idx.add.f32.msk vm0, v1  }
0xcd: {  	_ =	swait.ge [sflag:s14], $0x3200  }
0xce: {  	s21 =	simm.s32 @!p1 $0x400;
	[sflag:s14] =	ssyncset.done $0x0  }
0xcf: {  	s20 =	sadd.s32 $0x80, s20;
	s12 =	simm.s32 @!p1 $0x64;
	[sflag:s14] =	ssyncadd.s32 $0xFFFFCE00  }
0xd0: {  	[tilespmem:s21], [sflag:$0x1] =	stream.indirect.gather @!p1 [hbm4b:s5+s12], $0x80, s24, s12, $0xb8;
	[tilespmem:$0x1E400] =	vst v63  }
0xd1: {  	p1 =	sne.s32 s20, $0xC80  }
.Ltmp2:
0xd2: {  	_ = 	snop;
	(pc) =	sbr.rel @p1 .LBB2_6-.Ltmp2, $4  }
0xd3: {  	_ = 	snop  }
0xd4: {  	_ =	swait.ge [sflag:s15], $0x3200  }
0xd5: {  	[sflag:s15] =	ssyncset.done $0x0  }
0xd6: {  	s25 =	sadd.s32 $0x400, s25;
	[sflag:s15] =	ssyncadd.s32 $0xFFFFCE00  }
0xd7: {  	s12 =	rddreg [dreg:$0x6]  }
0xd8: {  	[hbm4b:s12+s8] =	stream.strided.scatter [tilespmem:s9], [sflag:$0x5], $0x2780, s30, s8, $0x38;
	[tilespmem:$0x1E400] =	vst v63  }
0xd9: {  	_ =	swait.ge [sflag:s28], $0x2780  }
0xda: {  	s24 =	stileid.u32;
	[sflag:s28] =	ssyncset.done $0x0  }
0xdb: {  	s21 =	sadd.s32 $0x0, s23;
	s12 =	sshll.u32 s24, $0x6;
	[sflag:s28] =	ssyncadd.s32 $0xFFFFD880  }
0xdc: {  	s25 =	sshrl.u32 s11, $0x3;
	s20 =	sor.u32 $0x1C05, s12;
	[bflag:$0x0] =	sbarrier.arrive $0xFFFF  }
0xdd: {  	[hbm:s21], [sflag:s20] =	dma.local [spmem:s25], $0x300  }
0xde: {  	s12 =	smov.u32 s22;
	s25 =	simm.s32 $0x300;
	_ =	swait.ge [sflag:s28], $0x300  }
.LBB2_8:
0xdf: {  	s21 =	sadd.s32 s25, s23;
	[sflag:s28] =	ssyncset.done $0x0;
	p1 =	sne.s32 s25, $0x2400  }
.Ltmp3:
0xe0: {  	s24 =	sshrl.u32 s12, $0x3;
	[sflag:s28] =	ssyncadd.s32 $0xFFFFFD00;
	(pc) =	sbr.rel @p1 .LBB2_8-.Ltmp3, $3  }
0xe1: {  	[hbm:s21], [sflag:s20] =	dma.local [spmem:s24], $0x300  }
0xe2: {  	s25 =	sadd.s32 $0x300, s25;
	_ =	sdelay $0x1  }
0xe3: {  	s12 =	sadd.s32 $0x1800, s12;
	_ =	swait.ge [sflag:s28], $0x300  }
0xe4: {  	[sflag:s28] =	ssyncset.done $0x0;
	s12 =	sshrl.u32 @!p0 s6, $0x3  }
0xe5: {  	s20 =	simm.s32 @!p0 $0x1FC5;
	s21 =	rddreg [dreg:$0x7];
	[sflag:s28] =	ssyncadd.s32 $0xFFFFFD00  }
0xe6: {  	[hbm:s21], [sflag:s20] =	dma.local @!p0 [spmem:s12], $0x100  }
0xe7: {  	s12 =	simm.s32 @!p0 $0x5  }
0xe8: {  	_ =	swait.ge @!p0 [sflag:s12], $0x100  }
0xe9: {  	s19 =	sadd.s32 $0x1, s19;
	s25 =	rddreg [dreg:$0x8]  }
0xea: {  	p1 =	sne.s32 s19, s25  }
.Ltmp4:
0xeb: {  	_ = 	snop;
	(pc) =	sbr.rel @p1 .LBB2_1-.Ltmp4, $3  }
0xec: {  	_ =	sdelay $0x1  }
0xed: {  	[sflag:s12] =	ssyncset.done @!p0 $0x0  }
0xee: {  	[sflag:s12] =	ssyncadd.s32 @!p0 $0xFFFFFF00  }
0xef: {  	_ =	sfence.sel $0x180000  }
0xf0: {  	[bflag:$0x0] =	sbarrier.arrive $0xFFFF  }
0xf1: {  	_ =	strace $0x90000047  }
0xf2: {  	s0 =	stileid.u32;
	[bflag:$0x2] =	sbarrier.arrive $0xFFFF  }
0xf3: {  	p0 =	sne.s32 s0, $0x0;
	s0 =	rddreg [dreg:$0x3]  }
0xf4: {  	s0 =	sadd.s32 @!p0 $0x100000, s0  }
0xf5: {  	[sflag:s0] =	ssyncadd.tile.s32 @!p0 $0x1;
	_ =	shalt  }
.Lfunc_end2:
_tile_overlayer_lowered:
.L_overlay_start_2:
0xf6: {  	(tag) =	ssettag $0x2  }
0xf7: {  	s0 =	rddreg [dreg:$0x0];
	s2 =	stileid.u32  }
0xf8: {  	s1 =	rddreg [dreg:$0x1];
	p0 =	sne.s32 s2, $0x0  }
0xf9: {  	s3 =	rddreg [dreg:$0x2];
	[bflag:$0x3] =	sbarrier.arrive $0xFFFF;
	s2 =	simm.s32 @!p0 $0x1C05  }
0xfa: {  	[timem:s3], [sflag:s2] =	dma.local @!p0 [hbm:s0], s1  }
0xfb: {  	s0 =	simm.s32 @!p0 $0x5  }
0xfc: {  	_ =	swait.ge @!p0 [sflag:s0], s1  }
0xfd: {  	s1 =	ssub.s32 @!p0 $0x0, s1;
	[sflag:s0] =	ssyncset.done @!p0 $0x0  }
0xfe: {  	[sflag:s0] =	ssyncadd.s32 @!p0 s1  }
0xff: {  	[bflag:$0x3] =	sbarrier.arrive $0xFFFF  }
0x100: {  	_ =	shalt  }

</sc_bundles>
